<compile_context>
chip_gen: v7x
topology: tpu7x:2x2x1
jax: 0.10.2.dev20260603
libtpu: 0.0.44.dev20260713+nightly
codegen_flags: <defaults>
</compile_context>

<pallas_src>
import jax
import jax.numpy as jnp
from jax import lax
from jax.experimental import pallas as pl
from jax.experimental.pallas import tpu as pltpu
from jax.experimental.pallas import tpu_sc as plsc

_B = 64
_S = 512
_M = _S // 2
_IMG_W = 1440.0
_IMG_H = 2560.0
_NW = 32
_NG = 16
_GSEG = _M
_CAP = _NG * _GSEG


def _sc_body(id_hbm, pid_hbm, box_hbm, out_hbm,
             idr_v, pidr_v, box_v, idr2_v, pidr2_v, box2_v,
             idv_v, pidv_v, rep_v,
             x1_v, y1_v, x2_v, y2_v, ar_v, last_v,
             cnts_v, cur_v,
             gx1, gy1, gx2, gy2, gar, accrow_v, sem, sem2):
    cid = lax.axis_index("c")
    sid = lax.axis_index("s")
    wid = sid * 2 + cid
    iota = lax.iota(jnp.int32, 16)
    ones16 = jnp.ones((16,), jnp.int32)

    tot = jnp.zeros((16,), jnp.float32)
    cnt = jnp.zeros((16,), jnp.float32)
    b0 = wid * 2
    cps0 = [
        pltpu.async_copy(id_hbm.at[b0], idr_v, sem),
        pltpu.async_copy(pid_hbm.at[b0], pidr_v, sem),
        pltpu.async_copy(box_hbm.at[b0], box_v, sem),
    ]
    cps1 = [
        pltpu.async_copy(id_hbm.at[b0 + 1], idr2_v, sem2),
        pltpu.async_copy(pid_hbm.at[b0 + 1], pidr2_v, sem2),
        pltpu.async_copy(box_hbm.at[b0 + 1], box2_v, sem2),
    ]
    for bi, (cps, idr_v, pidr_v, box_v) in enumerate(
            [(cps0, idr_v, pidr_v, box_v), (cps1, idr2_v, pidr2_v, box2_v)]):
        for cp in cps:
            cp.wait()

        cnts_v[pl.ds(0, _NG)] = jnp.zeros((_NG,), jnp.int32)

        def chunk_b(c, carry):
            s = pl.ds(c * 16, 16)
            pos = c * 16 + iota
            oidx = 2 * pos + 1
            v = plsc.load_gather(idr_v, [oidx])
            p = plsc.load_gather(pidr_v, [oidx])
            idv_v[s] = v
            pidv_v[s] = p
            fidx = 4 * oidx
            cx = plsc.load_gather(box_v, [fidx]) * _IMG_W
            cy = plsc.load_gather(box_v, [fidx + 1]) * _IMG_H
            wp = plsc.load_gather(box_v, [fidx + 2]) * _IMG_W
            hp = plsc.load_gather(box_v, [fidx + 3]) * _IMG_H
            x1_v[s] = cx - wp * 0.5
            y1_v[s] = cy - hp * 0.5
            x2_v[s] = cx + wp * 0.5
            y2_v[s] = cy + hp * 0.5
            ar_v[s] = wp * hp
            _, lastm = plsc.scan_count(v)
            plsc.store_scatter(last_v, [v], pos, mask=lastm)
            return carry

        lax.fori_loop(0, 16, chunk_b, jnp.int32(0))

        def chunk_c1(c, carry):
            s = pl.ds(c * 16, 16)
            v = idv_v[s]
            pos = c * 16 + iota
            rep = plsc.load_gather(last_v, [v]) == pos
            rep_v[s] = rep.astype(jnp.int32)
            plsc.addupdate_scatter(cnts_v, [pidv_v[s]], ones16, mask=rep)
            return carry

        lax.fori_loop(0, 16, chunk_c1, jnp.int32(0))

        cur_v[...] = iota * _GSEG

        def chunk_c2(c, carry):
            s = pl.ds(c * 16, 16)
            rep = rep_v[s] != 0
            p = pidv_v[s]
            rank, _ = plsc.scan_count(p, mask=rep)
            base = plsc.load_gather(cur_v, [p])
            slot = base + rank - 1
            plsc.store_scatter(gx1, [slot], x1_v[s], mask=rep)
            plsc.store_scatter(gy1, [slot], y1_v[s], mask=rep)
            plsc.store_scatter(gx2, [slot], x2_v[s], mask=rep)
            plsc.store_scatter(gy2, [slot], y2_v[s], mask=rep)
            plsc.store_scatter(gar, [slot], ar_v[s], mask=rep)
            plsc.addupdate_scatter(cur_v, [p], ones16, mask=rep)
            return carry

        lax.fori_loop(0, 16, chunk_c2, jnp.int32(0))

        def group(g, carry):
            base = g * _GSEG
            ng = cnts_v[pl.ds(g, 16)][0]

            def small(carry2):
                s = pl.ds(base, 16)
                cx1 = gx1[s]
                cy1 = gy1[s]
                cx2 = gx2[s]
                cy2 = gy2[s]
                car = gar[s]

                mhi = iota < ng

                def row(r, carry3):
                    tot3, cnt3 = carry3
                    ii = jnp.full((16,), base + r, jnp.int32)
                    rx1 = plsc.load_gather(gx1, [ii])
                    ry1 = plsc.load_gather(gy1, [ii])
                    rx2 = plsc.load_gather(gx2, [ii])
                    ry2 = plsc.load_gather(gy2, [ii])
                    rar = plsc.load_gather(gar, [ii])
                    m = (iota > r) & mhi
                    xl = jnp.maximum(rx1, cx1)
                    yt = jnp.maximum(ry1, cy1)
                    xr = jnp.minimum(rx2, cx2)
                    yb = jnp.minimum(ry2, cy2)
                    legal = (xr >= xl) & (yb >= yt) & m
                    inter = (xr - xl) * (yb - yt)
                    amin = jnp.minimum(rar, car)
                    iou = jnp.where(legal, inter / amin, jnp.float32(0.0))
                    return tot3 + iou, cnt3 + legal.astype(jnp.float32)

                return lax.fori_loop(0, ng - 1, row, carry2)

            def big(carry2):
                nch_hi = g * (_GSEG // 16) + (ng + 15) // 16
                en = base + ng

                def row(r, carry3):
                    i = base + r
                    ii = jnp.full((16,), i, jnp.int32)
                    rx1 = plsc.load_gather(gx1, [ii])
                    ry1 = plsc.load_gather(gy1, [ii])
                    rx2 = plsc.load_gather(gx2, [ii])
                    ry2 = plsc.load_gather(gy2, [ii])
                    rar = plsc.load_gather(gar, [ii])

                    def col_chunk(c, carry4):
                        tot4, cnt4 = carry4
                        s = pl.ds(c * 16, 16)
                        colidx = c * 16 + iota
                        m = (colidx > i) & (colidx < en)
                        xl = jnp.maximum(rx1, gx1[s])
                        yt = jnp.maximum(ry1, gy1[s])
                        xr = jnp.minimum(rx2, gx2[s])
                        yb = jnp.minimum(ry2, gy2[s])
                        legal = (xr >= xl) & (yb >= yt) & m
                        inter = (xr - xl) * (yb - yt)
                        amin = jnp.minimum(rar, gar[s])
                        iou = jnp.where(legal, inter / amin, jnp.float32(0.0))
                        return tot4 + iou, cnt4 + legal.astype(jnp.float32)

                    return lax.fori_loop(i // 16, nch_hi, col_chunk, carry3)

                return lax.fori_loop(0, ng - 1, row, carry2)

            return lax.cond(ng <= 16, small, big, carry)

        tot, cnt = lax.fori_loop(0, _NG, group, (tot, cnt))

    accrow_v[...] = tot
    pltpu.sync_copy(accrow_v, out_hbm.at[wid])
    accrow_v[...] = cnt
    pltpu.sync_copy(accrow_v, out_hbm.at[_NW + wid])


@jax.jit
def _sc_call(id_in, pid_in, box_in):
    mesh = plsc.VectorSubcoreMesh(core_axis_name="c", subcore_axis_name="s")
    run = pl.kernel(
        _sc_body,
        out_type=jax.ShapeDtypeStruct((2 * _NW, 16), jnp.float32),
        mesh=mesh,
        compiler_params=pltpu.CompilerParams(needs_layout_passes=False),
        scratch_types=[
            pltpu.VMEM((_S,), jnp.int32),
            pltpu.VMEM((_S,), jnp.int32),
            pltpu.VMEM((4 * _S,), jnp.float32),
            pltpu.VMEM((_S,), jnp.int32),
            pltpu.VMEM((_S,), jnp.int32),
            pltpu.VMEM((4 * _S,), jnp.float32),
            pltpu.VMEM((_M,), jnp.int32),
            pltpu.VMEM((_M,), jnp.int32),
            pltpu.VMEM((_M,), jnp.int32),
            pltpu.VMEM((_M,), jnp.float32),
            pltpu.VMEM((_M,), jnp.float32),
            pltpu.VMEM((_M,), jnp.float32),
            pltpu.VMEM((_M,), jnp.float32),
            pltpu.VMEM((_M,), jnp.float32),
            pltpu.VMEM((_M,), jnp.int32),
            pltpu.VMEM((2 * _NG,), jnp.int32),
            pltpu.VMEM((_NG,), jnp.int32),
            pltpu.VMEM((_CAP,), jnp.float32),
            pltpu.VMEM((_CAP,), jnp.float32),
            pltpu.VMEM((_CAP,), jnp.float32),
            pltpu.VMEM((_CAP,), jnp.float32),
            pltpu.VMEM((_CAP,), jnp.float32),
            pltpu.VMEM((16,), jnp.float32),
            pltpu.SemaphoreType.DMA,
            pltpu.SemaphoreType.DMA,
        ],
    )
    return run(id_in, pid_in, box_in)


def kernel(pred_boxes, id, parent_id, type_id):
    out = _sc_call(id, parent_id, pred_boxes.reshape(_B, 4 * _S))
    total = jnp.sum(out[:_NW])
    cntf = jnp.sum(out[_NW:])
    ratio = total / cntf
    bad = (cntf == 0) | jnp.logical_not(ratio >= 0.0) | jnp.logical_not(ratio <= 1.0)
    return jnp.where(bad, jnp.asarray(0.0, dtype=jnp.float32), total)

# --- scband reference (transcript-rebuilt; emitter-appended) ---
"""Pipeline reference for scband-overlap-loss-intra-63110249447561 (READ-ONLY COPY).

The authoritative reference and input builder live on the scoring server;
editing this copy changes nothing except your own understanding.
"""

import jax, jax.numpy as jnp
import numpy as np

B = 64
S = 512
IMG_W = 1440.0
IMG_H = 2560.0


def setup_inputs(seed: int = 0):
    key = jax.random.key(seed)
    k1, k2, k3, k4 = jax.random.split(key, 4)
    pred_boxes = jax.random.uniform(k1, (B, S, 4), dtype=jnp.float32)
    id_ = jax.random.randint(k2, (B, S), 0, S // 2, dtype=jnp.int32)
    parent_id = jax.random.randint(k3, (B, S), 0, 16, dtype=jnp.int32)
    type_id = jax.random.randint(k4, (B, S), 0, 8, dtype=jnp.int32)
    return {"pred_boxes": pred_boxes, "id": id_, "parent_id": parent_id, "type_id": type_id}


def _flat_ids(id_, parent_id):
    # offsets b*(S//2) separate batches for both ids and parents, so the
    # [1::2] slice of the row-major flatten is exactly the odd columns,
    # and the batch offset can stay implicit in the leading axis.
    idv = id_[:, 1::2].astype(jnp.int32)
    pidv = parent_id[:, 1::2].astype(jnp.int32)
    return idv, pidv


def _last_occurrence(idv):
    # last occurrence index of each id value via scatter-max (SparseCore-style)
    B_, M = idv.shape
    pos = jnp.broadcast_to(jnp.arange(M, dtype=jnp.int32)[None, :], (B_, M))
    last_occ = jnp.full((B_, M), -1, dtype=jnp.int32)
    last_occ = last_occ.at[jnp.arange(B_)[:, None], idv].max(pos)
    return last_occ


def _xyxy(pred_boxes):
    pb = pred_boxes.reshape(-1, 4)[1::2]
    cx = pb[:, 0] * IMG_W
    cy = pb[:, 1] * IMG_H
    w = pb[:, 2] * IMG_W
    h = pb[:, 3] * IMG_H
    return jnp.stack([cx - w / 2.0, cy - h / 2.0, cx + w / 2.0, cy + h / 2.0], axis=1)


def _iou_sum(bx, pair_mask):
    bb1 = bx[:, :, None, :]
    bb2 = bx[:, None, :, :]
    x_left = jnp.maximum(bb1[..., 0], bb2[..., 0])
    y_top = jnp.maximum(bb1[..., 1], bb2[..., 1])
    x_right = jnp.minimum(bb1[..., 2], bb2[..., 2])
    y_bottom = jnp.minimum(bb1[..., 3], bb2[..., 3])
    legal = (x_right >= x_left) & (y_bottom >= y_top) & pair_mask
    inter = (x_right - x_left) * (y_bottom - y_top)
    a1 = (bb1[..., 2] - bb1[..., 0]) * (bb1[..., 3] - bb1[..., 1])
    a2 = (bb2[..., 2] - bb2[..., 0]) * (bb2[..., 3] - bb2[..., 1])
    iou = jnp.where(legal, inter / jnp.minimum(a1, a2), 0.0)
    return jnp.sum(iou), jnp.sum(legal)


def reference(pred_boxes, id, parent_id, type_id):
    idv, pidv = _flat_ids(id, parent_id)
    B_, M = idv.shape
    last_occ = _last_occurrence(idv)
    present = last_occ >= 0
    loc = jnp.maximum(last_occ, 0)
    utp = jnp.take_along_axis(pidv, loc, axis=1)
    boxes = _xyxy(pred_boxes).reshape(B_, M, 4)
    bx = jnp.take_along_axis(boxes, loc[:, :, None], axis=1)
    # same pair set as the (i<j) enumeration over unique ids per parent group
    upper = jnp.arange(M)[:, None] < jnp.arange(M)[None, :]
    pair_mask = (present[:, :, None] & present[:, None, :]
                 & (utp[:, :, None] == utp[:, None, :]) & upper[None, :, :])
    total, legal_num = _iou_sum(bx, pair_mask)
    ratio = total / legal_num
    bad = (legal_num == 0) | jnp.logical_not(ratio >= 0.0) | jnp.logical_not(ratio <= 1.0)
    return jnp.where(bad, jnp.asarray(0.0, dtype=jnp.float32), total)

if __name__ == "__main__":
    import jax
    _d = setup_inputs()
    print(jax.jit(kernel)(*tuple(_d.values())))

</pallas_src>

<mosaic_0001>
#map = affine_map<(d0, d1) -> (0, 0)>
module attributes {stable_mosaic.version = 14 : i64} {
  func.func @_sc_body(%arg0: i32, %arg1: i32, %arg2: memref<64x512xi32, #tpu.memory_space<hbm>>, %arg3: memref<64x512xi32, #tpu.memory_space<hbm>>, %arg4: memref<64x2048xf32, #tpu.memory_space<hbm>>, %arg5: memref<64x16xf32, #tpu.memory_space<hbm>>, %arg6: memref<512xi32, #tpu.memory_space<vmem>>, %arg7: memref<512xi32, #tpu.memory_space<vmem>>, %arg8: memref<2048xf32, #tpu.memory_space<vmem>>, %arg9: memref<512xi32, #tpu.memory_space<vmem>>, %arg10: memref<512xi32, #tpu.memory_space<vmem>>, %arg11: memref<2048xf32, #tpu.memory_space<vmem>>, %arg12: memref<256xi32, #tpu.memory_space<vmem>>, %arg13: memref<256xi32, #tpu.memory_space<vmem>>, %arg14: memref<256xi32, #tpu.memory_space<vmem>>, %arg15: memref<256xf32, #tpu.memory_space<vmem>>, %arg16: memref<256xf32, #tpu.memory_space<vmem>>, %arg17: memref<256xf32, #tpu.memory_space<vmem>>, %arg18: memref<256xf32, #tpu.memory_space<vmem>>, %arg19: memref<256xf32, #tpu.memory_space<vmem>>, %arg20: memref<256xi32, #tpu.memory_space<vmem>>, %arg21: memref<32xi32, #tpu.memory_space<vmem>>, %arg22: memref<16xi32, #tpu.memory_space<vmem>>, %arg23: memref<4096xf32, #tpu.memory_space<vmem>>, %arg24: memref<4096xf32, #tpu.memory_space<vmem>>, %arg25: memref<4096xf32, #tpu.memory_space<vmem>>, %arg26: memref<4096xf32, #tpu.memory_space<vmem>>, %arg27: memref<4096xf32, #tpu.memory_space<vmem>>, %arg28: memref<16xf32, #tpu.memory_space<vmem>>, %arg29: memref<!tpu.dma_semaphore, #tpu.memory_space<semaphore_mem>>, %arg30: memref<!tpu.dma_semaphore, #tpu.memory_space<semaphore_mem>>) attributes {dimension_semantics = [#tpu.dimension_semantics<core_parallel>, #tpu.dimension_semantics<subcore_parallel>], iteration_bounds = array<i64: 2, 16>, scalar_prefetch = 0 : i64, scratch_operands = 25 : i64, tpu.core_type = #tpu.core_type<sc_vector_subcore>, window_params = [{transform_indices = #map}, {transform_indices = #map}, {transform_indices = #map}, {transform_indices = #map}]} {
    %mul3A = arith.constant 2 : i32
    %mul3A_0 = arith.muli %arg1, %mul3A : i32
    %add3A = arith.addi %mul3A_0, %arg0 : i32
    %iota3A = tpu.iota {dimensions = array<i32: 0>} : vector<16xi32>
    %broadcast_in_dim3A = arith.constant 1 : i32
    %broadcast_in_dim3A_1 = vector.broadcast %broadcast_in_dim3A : i32 to vector<16xi32>
    %broadcast_in_dim3A_2 = arith.constant 0.000000e+00 : f32
    %broadcast_in_dim3A_3 = vector.broadcast %broadcast_in_dim3A_2 : f32 to vector<16xf32>
    %broadcast_in_dim3A_4 = arith.constant 0.000000e+00 : f32
    %broadcast_in_dim3A_5 = vector.broadcast %broadcast_in_dim3A_4 : f32 to vector<16xf32>
    %mul3A_6 = arith.constant 2 : i32
    %mul3A_7 = arith.muli %add3A, %mul3A_6 : i32
    %dma_start3A = arith.constant 0 : i32
    %dma_start3A_8 = tpu.memref_slice %arg2[%mul3A_7, %dma_start3A] : memref<64x512xi32, #tpu.memory_space<hbm>> -> memref<1x512xi32, #tpu.memory_space<hbm>>
    %dma_start3A_9 = tpu.memref_squeeze %dma_start3A_8 : memref<1x512xi32, #tpu.memory_space<hbm>> -> memref<512xi32, #tpu.memory_space<hbm>>
    %dma_start3A_10 = arith.constant 0 : i32
    %dma_start3A_11 = tpu.memref_slice %arg2[%mul3A_7, %dma_start3A_10] : memref<64x512xi32, #tpu.memory_space<hbm>> -> memref<1x512xi32, #tpu.memory_space<hbm>>
    %dma_start3A_12 = tpu.memref_squeeze %dma_start3A_11 : memref<1x512xi32, #tpu.memory_space<hbm>> -> memref<512xi32, #tpu.memory_space<hbm>>
    tpu.enqueue_dma source(%dma_start3A_12 : memref<512xi32, #tpu.memory_space<hbm>>) target(%arg6 : memref<512xi32, #tpu.memory_space<vmem>>) target_semaphore(%arg29 : memref<!tpu.dma_semaphore, #tpu.memory_space<semaphore_mem>>)
    %dma_start3A_13 = arith.constant 0 : i32
    %dma_start3A_14 = tpu.memref_slice %arg3[%mul3A_7, %dma_start3A_13] : memref<64x512xi32, #tpu.memory_space<hbm>> -> memref<1x512xi32, #tpu.memory_space<hbm>>
    %dma_start3A_15 = tpu.memref_squeeze %dma_start3A_14 : memref<1x512xi32, #tpu.memory_space<hbm>> -> memref<512xi32, #tpu.memory_space<hbm>>
    %dma_start3A_16 = arith.constant 0 : i32
    %dma_start3A_17 = tpu.memref_slice %arg3[%mul3A_7, %dma_start3A_16] : memref<64x512xi32, #tpu.memory_space<hbm>> -> memref<1x512xi32, #tpu.memory_space<hbm>>
    %dma_start3A_18 = tpu.memref_squeeze %dma_start3A_17 : memref<1x512xi32, #tpu.memory_space<hbm>> -> memref<512xi32, #tpu.memory_space<hbm>>
    tpu.enqueue_dma source(%dma_start3A_18 : memref<512xi32, #tpu.memory_space<hbm>>) target(%arg7 : memref<512xi32, #tpu.memory_space<vmem>>) target_semaphore(%arg29 : memref<!tpu.dma_semaphore, #tpu.memory_space<semaphore_mem>>)
    %dma_start3A_19 = arith.constant 0 : i32
    %dma_start3A_20 = tpu.memref_slice %arg4[%mul3A_7, %dma_start3A_19] : memref<64x2048xf32, #tpu.memory_space<hbm>> -> memref<1x2048xf32, #tpu.memory_space<hbm>>
    %dma_start3A_21 = tpu.memref_squeeze %dma_start3A_20 : memref<1x2048xf32, #tpu.memory_space<hbm>> -> memref<2048xf32, #tpu.memory_space<hbm>>
    %dma_start3A_22 = arith.constant 0 : i32
    %dma_start3A_23 = tpu.memref_slice %arg4[%mul3A_7, %dma_start3A_22] : memref<64x2048xf32, #tpu.memory_space<hbm>> -> memref<1x2048xf32, #tpu.memory_space<hbm>>
    %dma_start3A_24 = tpu.memref_squeeze %dma_start3A_23 : memref<1x2048xf32, #tpu.memory_space<hbm>> -> memref<2048xf32, #tpu.memory_space<hbm>>
    tpu.enqueue_dma source(%dma_start3A_24 : memref<2048xf32, #tpu.memory_space<hbm>>) target(%arg8 : memref<2048xf32, #tpu.memory_space<vmem>>) target_semaphore(%arg29 : memref<!tpu.dma_semaphore, #tpu.memory_space<semaphore_mem>>)
    %add3A_25 = arith.constant 1 : i32
    %add3A_26 = arith.addi %mul3A_7, %add3A_25 : i32
    %dma_start3A_27 = arith.constant 0 : i32
    %dma_start3A_28 = tpu.memref_slice %arg2[%add3A_26, %dma_start3A_27] : memref<64x512xi32, #tpu.memory_space<hbm>> -> memref<1x512xi32, #tpu.memory_space<hbm>>
    %dma_start3A_29 = tpu.memref_squeeze %dma_start3A_28 : memref<1x512xi32, #tpu.memory_space<hbm>> -> memref<512xi32, #tpu.memory_space<hbm>>
    %dma_start3A_30 = arith.constant 0 : i32
    %dma_start3A_31 = tpu.memref_slice %arg2[%add3A_26, %dma_start3A_30] : memref<64x512xi32, #tpu.memory_space<hbm>> -> memref<1x512xi32, #tpu.memory_space<hbm>>
    %dma_start3A_32 = tpu.memref_squeeze %dma_start3A_31 : memref<1x512xi32, #tpu.memory_space<hbm>> -> memref<512xi32, #tpu.memory_space<hbm>>
    tpu.enqueue_dma source(%dma_start3A_32 : memref<512xi32, #tpu.memory_space<hbm>>) target(%arg9 : memref<512xi32, #tpu.memory_space<vmem>>) target_semaphore(%arg30 : memref<!tpu.dma_semaphore, #tpu.memory_space<semaphore_mem>>)
    %add3A_33 = arith.constant 1 : i32
    %add3A_34 = arith.addi %mul3A_7, %add3A_33 : i32
    %dma_start3A_35 = arith.constant 0 : i32
    %dma_start3A_36 = tpu.memref_slice %arg3[%add3A_34, %dma_start3A_35] : memref<64x512xi32, #tpu.memory_space<hbm>> -> memref<1x512xi32, #tpu.memory_space<hbm>>
    %dma_start3A_37 = tpu.memref_squeeze %dma_start3A_36 : memref<1x512xi32, #tpu.memory_space<hbm>> -> memref<512xi32, #tpu.memory_space<hbm>>
    %dma_start3A_38 = arith.constant 0 : i32
    %dma_start3A_39 = tpu.memref_slice %arg3[%add3A_34, %dma_start3A_38] : memref<64x512xi32, #tpu.memory_space<hbm>> -> memref<1x512xi32, #tpu.memory_space<hbm>>
    %dma_start3A_40 = tpu.memref_squeeze %dma_start3A_39 : memref<1x512xi32, #tpu.memory_space<hbm>> -> memref<512xi32, #tpu.memory_space<hbm>>
    tpu.enqueue_dma source(%dma_start3A_40 : memref<512xi32, #tpu.memory_space<hbm>>) target(%arg10 : memref<512xi32, #tpu.memory_space<vmem>>) target_semaphore(%arg30 : memref<!tpu.dma_semaphore, #tpu.memory_space<semaphore_mem>>)
    %add3A_41 = arith.constant 1 : i32
    %add3A_42 = arith.addi %mul3A_7, %add3A_41 : i32
    %dma_start3A_43 = arith.constant 0 : i32
    %dma_start3A_44 = tpu.memref_slice %arg4[%add3A_42, %dma_start3A_43] : memref<64x2048xf32, #tpu.memory_space<hbm>> -> memref<1x2048xf32, #tpu.memory_space<hbm>>
    %dma_start3A_45 = tpu.memref_squeeze %dma_start3A_44 : memref<1x2048xf32, #tpu.memory_space<hbm>> -> memref<2048xf32, #tpu.memory_space<hbm>>
    %dma_start3A_46 = arith.constant 0 : i32
    %dma_start3A_47 = tpu.memref_slice %arg4[%add3A_42, %dma_start3A_46] : memref<64x2048xf32, #tpu.memory_space<hbm>> -> memref<1x2048xf32, #tpu.memory_space<hbm>>
    %dma_start3A_48 = tpu.memref_squeeze %dma_start3A_47 : memref<1x2048xf32, #tpu.memory_space<hbm>> -> memref<2048xf32, #tpu.memory_space<hbm>>
    tpu.enqueue_dma source(%dma_start3A_48 : memref<2048xf32, #tpu.memory_space<hbm>>) target(%arg11 : memref<2048xf32, #tpu.memory_space<vmem>>) target_semaphore(%arg30 : memref<!tpu.dma_semaphore, #tpu.memory_space<semaphore_mem>>)
    %dma_wait3A = arith.constant 0 : i32
    %dma_wait3A_49 = tpu.memref_slice %arg2[%mul3A_7, %dma_wait3A] : memref<64x512xi32, #tpu.memory_space<hbm>> -> memref<1x512xi32, #tpu.memory_space<hbm>>
    %dma_wait3A_50 = tpu.memref_squeeze %dma_wait3A_49 : memref<1x512xi32, #tpu.memory_space<hbm>> -> memref<512xi32, #tpu.memory_space<hbm>>
    %dma_wait3A_51 = arith.constant 0 : i32
    %dma_wait3A_52 = tpu.memref_slice %arg2[%mul3A_7, %dma_wait3A_51] : memref<64x512xi32, #tpu.memory_space<hbm>> -> memref<1x512xi32, #tpu.memory_space<hbm>>
    %dma_wait3A_53 = tpu.memref_squeeze %dma_wait3A_52 : memref<1x512xi32, #tpu.memory_space<hbm>> -> memref<512xi32, #tpu.memory_space<hbm>>
    tpu.wait_dma2 semaphore(%arg29 : memref<!tpu.dma_semaphore, #tpu.memory_space<semaphore_mem>>) src(%dma_wait3A_53 : memref<512xi32, #tpu.memory_space<hbm>>) dst(%arg6 : memref<512xi32, #tpu.memory_space<vmem>>)
    %dma_wait3A_54 = arith.constant 0 : i32
    %dma_wait3A_55 = tpu.memref_slice %arg3[%mul3A_7, %dma_wait3A_54] : memref<64x512xi32, #tpu.memory_space<hbm>> -> memref<1x512xi32, #tpu.memory_space<hbm>>
    %dma_wait3A_56 = tpu.memref_squeeze %dma_wait3A_55 : memref<1x512xi32, #tpu.memory_space<hbm>> -> memref<512xi32, #tpu.memory_space<hbm>>
    %dma_wait3A_57 = arith.constant 0 : i32
    %dma_wait3A_58 = tpu.memref_slice %arg3[%mul3A_7, %dma_wait3A_57] : memref<64x512xi32, #tpu.memory_space<hbm>> -> memref<1x512xi32, #tpu.memory_space<hbm>>
    %dma_wait3A_59 = tpu.memref_squeeze %dma_wait3A_58 : memref<1x512xi32, #tpu.memory_space<hbm>> -> memref<512xi32, #tpu.memory_space<hbm>>
    tpu.wait_dma2 semaphore(%arg29 : memref<!tpu.dma_semaphore, #tpu.memory_space<semaphore_mem>>) src(%dma_wait3A_59 : memref<512xi32, #tpu.memory_space<hbm>>) dst(%arg7 : memref<512xi32, #tpu.memory_space<vmem>>)
    %dma_wait3A_60 = arith.constant 0 : i32
    %dma_wait3A_61 = tpu.memref_slice %arg4[%mul3A_7, %dma_wait3A_60] : memref<64x2048xf32, #tpu.memory_space<hbm>> -> memref<1x2048xf32, #tpu.memory_space<hbm>>
    %dma_wait3A_62 = tpu.memref_squeeze %dma_wait3A_61 : memref<1x2048xf32, #tpu.memory_space<hbm>> -> memref<2048xf32, #tpu.memory_space<hbm>>
    %dma_wait3A_63 = arith.constant 0 : i32
    %dma_wait3A_64 = tpu.memref_slice %arg4[%mul3A_7, %dma_wait3A_63] : memref<64x2048xf32, #tpu.memory_space<hbm>> -> memref<1x2048xf32, #tpu.memory_space<hbm>>
    %dma_wait3A_65 = tpu.memref_squeeze %dma_wait3A_64 : memref<1x2048xf32, #tpu.memory_space<hbm>> -> memref<2048xf32, #tpu.memory_space<hbm>>
    tpu.wait_dma2 semaphore(%arg29 : memref<!tpu.dma_semaphore, #tpu.memory_space<semaphore_mem>>) src(%dma_wait3A_65 : memref<2048xf32, #tpu.memory_space<hbm>>) dst(%arg8 : memref<2048xf32, #tpu.memory_space<vmem>>)
    %broadcast_in_dim3A_66 = arith.constant 0 : i32
    %broadcast_in_dim3A_67 = vector.broadcast %broadcast_in_dim3A_66 : i32 to vector<16xi32>
    %swap3A = arith.constant 0 : index
    %swap3A_68 = tpu.vector_load %arg21[%swap3A] {strides = array<i32>} : memref<32xi32, #tpu.memory_space<vmem>>, vector<16xi32>,
    tpu.vector_store %arg21[%swap3A], %broadcast_in_dim3A_67 {strides = array<i32>} : memref<32xi32, #tpu.memory_space<vmem>>, vector<16xi32>,
    %scan3A = arith.constant 0 : i32
    %scan3A_69 = arith.constant 0 : i32
    %scan3A_70 = arith.constant 16 : i32
    %scan3A_71 = arith.addi %scan3A_69, %scan3A_70 : i32
    %scan3A_72 = arith.constant 1 : i32
    scf.for %scan3A_154 = %scan3A_69 to %scan3A_71 step %scan3A_72  : i32 {
      %mul3A_155 = arith.constant 16 : i32
      %mul3A_156 = arith.muli %scan3A_154, %mul3A_155 : i32
      %mul3A_157 = arith.constant 16 : i32
      %mul3A_158 = arith.muli %scan3A_154, %mul3A_157 : i32
      %add3A_159 = vector.broadcast %mul3A_158 : i32 to vector<16xi32>
      %add3A_160 = arith.addi %add3A_159, %iota3A : vector<16xi32>
      %mul3A_161 = arith.constant 2 : i32
      %mul3A_162 = vector.broadcast %mul3A_161 : i32 to vector<16xi32>
      %mul3A_163 = arith.muli %mul3A_162, %add3A_160 : vector<16xi32>
      %add3A_164 = arith.constant 1 : i32
      %add3A_165 = vector.broadcast %add3A_164 : i32 to vector<16xi32>
      %add3A_166 = arith.addi %mul3A_163, %add3A_165 : vector<16xi32>
      %gather3A = tpu.vector_load_idx %arg6[%add3A_166] : memref<512xi32, #tpu.memory_space<vmem>>[vector<16xi32>], vector<16xi32>,
      %gather3A_167 = tpu.vector_load_idx %arg7[%add3A_166] : memref<512xi32, #tpu.memory_space<vmem>>[vector<16xi32>], vector<16xi32>,
      %swap3A_168 = arith.index_cast %mul3A_156 : i32 to index
      %swap3A_169 = tpu.vector_load %arg12[%swap3A_168] {strides = array<i32>} : memref<256xi32, #tpu.memory_space<vmem>>, vector<16xi32>,
      tpu.vector_store %arg12[%swap3A_168], %gather3A {strides = array<i32>} : memref<256xi32, #tpu.memory_space<vmem>>, vector<16xi32>,
      %swap3A_170 = arith.index_cast %mul3A_156 : i32 to index
      %swap3A_171 = tpu.vector_load %arg13[%swap3A_170] {strides = array<i32>} : memref<256xi32, #tpu.memory_space<vmem>>, vector<16xi32>,
      tpu.vector_store %arg13[%swap3A_170], %gather3A_167 {strides = array<i32>} : memref<256xi32, #tpu.memory_space<vmem>>, vector<16xi32>,
      %mul3A_172 = arith.constant 4 : i32
      %mul3A_173 = vector.broadcast %mul3A_172 : i32 to vector<16xi32>
      %mul3A_174 = arith.muli %mul3A_173, %add3A_166 : vector<16xi32>
      %gather3A_175 = tpu.vector_load_idx %arg8[%mul3A_174] : memref<2048xf32, #tpu.memory_space<vmem>>[vector<16xi32>], vector<16xf32>,
      %mul3A_176 = arith.constant 1.440000e+03 : f32
      %mul3A_177 = vector.broadcast %mul3A_176 : f32 to vector<16xf32>
      %mul3A_178 = arith.mulf %gather3A_175, %mul3A_177 : vector<16xf32>
      %add3A_179 = arith.constant 1 : i32
      %add3A_180 = vector.broadcast %add3A_179 : i32 to vector<16xi32>
      %add3A_181 = arith.addi %mul3A_174, %add3A_180 : vector<16xi32>
      %gather3A_182 = tpu.vector_load_idx %arg8[%add3A_181] : memref<2048xf32, #tpu.memory_space<vmem>>[vector<16xi32>], vector<16xf32>,
      %mul3A_183 = arith.constant 2.560000e+03 : f32
      %mul3A_184 = vector.broadcast %mul3A_183 : f32 to vector<16xf32>
      %mul3A_185 = arith.mulf %gather3A_182, %mul3A_184 : vector<16xf32>
      %add3A_186 = arith.constant 2 : i32
      %add3A_187 = vector.broadcast %add3A_186 : i32 to vector<16xi32>
      %add3A_188 = arith.addi %mul3A_174, %add3A_187 : vector<16xi32>
      %gather3A_189 = tpu.vector_load_idx %arg8[%add3A_188] : memref<2048xf32, #tpu.memory_space<vmem>>[vector<16xi32>], vector<16xf32>,
      %mul3A_190 = arith.constant 1.440000e+03 : f32
      %mul3A_191 = vector.broadcast %mul3A_190 : f32 to vector<16xf32>
      %mul3A_192 = arith.mulf %gather3A_189, %mul3A_191 : vector<16xf32>
      %add3A_193 = arith.constant 3 : i32
      %add3A_194 = vector.broadcast %add3A_193 : i32 to vector<16xi32>
      %add3A_195 = arith.addi %mul3A_174, %add3A_194 : vector<16xi32>
      %gather3A_196 = tpu.vector_load_idx %arg8[%add3A_195] : memref<2048xf32, #tpu.memory_space<vmem>>[vector<16xi32>], vector<16xf32>,
      %mul3A_197 = arith.constant 2.560000e+03 : f32
      %mul3A_198 = vector.broadcast %mul3A_197 : f32 to vector<16xf32>
      %mul3A_199 = arith.mulf %gather3A_196, %mul3A_198 : vector<16xf32>
      %mul3A_200 = arith.constant 5.000000e-01 : f32
      %mul3A_201 = vector.broadcast %mul3A_200 : f32 to vector<16xf32>
      %mul3A_202 = arith.mulf %mul3A_192, %mul3A_201 : vector<16xf32>
      %sub3A = arith.subf %mul3A_178, %mul3A_202 : vector<16xf32>
      %swap3A_203 = arith.index_cast %mul3A_156 : i32 to index
      %swap3A_204 = tpu.vector_load %arg15[%swap3A_203] {strides = array<i32>} : memref<256xf32, #tpu.memory_space<vmem>>, vector<16xf32>,
      tpu.vector_store %arg15[%swap3A_203], %sub3A {strides = array<i32>} : memref<256xf32, #tpu.memory_space<vmem>>, vector<16xf32>,
      %mul3A_205 = arith.constant 5.000000e-01 : f32
      %mul3A_206 = vector.broadcast %mul3A_205 : f32 to vector<16xf32>
      %mul3A_207 = arith.mulf %mul3A_199, %mul3A_206 : vector<16xf32>
      %sub3A_208 = arith.subf %mul3A_185, %mul3A_207 : vector<16xf32>
      %swap3A_209 = arith.index_cast %mul3A_156 : i32 to index
      %swap3A_210 = tpu.vector_load %arg16[%swap3A_209] {strides = array<i32>} : memref<256xf32, #tpu.memory_space<vmem>>, vector<16xf32>,
      tpu.vector_store %arg16[%swap3A_209], %sub3A_208 {strides = array<i32>} : memref<256xf32, #tpu.memory_space<vmem>>, vector<16xf32>,
      %mul3A_211 = arith.constant 5.000000e-01 : f32
      %mul3A_212 = vector.broadcast %mul3A_211 : f32 to vector<16xf32>
      %mul3A_213 = arith.mulf %mul3A_192, %mul3A_212 : vector<16xf32>
      %add3A_214 = arith.addf %mul3A_178, %mul3A_213 : vector<16xf32>
      %swap3A_215 = arith.index_cast %mul3A_156 : i32 to index
      %swap3A_216 = tpu.vector_load %arg17[%swap3A_215] {strides = array<i32>} : memref<256xf32, #tpu.memory_space<vmem>>, vector<16xf32>,
      tpu.vector_store %arg17[%swap3A_215], %add3A_214 {strides = array<i32>} : memref<256xf32, #tpu.memory_space<vmem>>, vector<16xf32>,
      %mul3A_217 = arith.constant 5.000000e-01 : f32
      %mul3A_218 = vector.broadcast %mul3A_217 : f32 to vector<16xf32>
      %mul3A_219 = arith.mulf %mul3A_199, %mul3A_218 : vector<16xf32>
      %add3A_220 = arith.addf %mul3A_185, %mul3A_219 : vector<16xf32>
      %swap3A_221 = arith.index_cast %mul3A_156 : i32 to index
      %swap3A_222 = tpu.vector_load %arg18[%swap3A_221] {strides = array<i32>} : memref<256xf32, #tpu.memory_space<vmem>>, vector<16xf32>,
      tpu.vector_store %arg18[%swap3A_221], %add3A_220 {strides = array<i32>} : memref<256xf32, #tpu.memory_space<vmem>>, vector<16xf32>,
      %mul3A_223 = arith.mulf %mul3A_192, %mul3A_199 : vector<16xf32>
      %swap3A_224 = arith.index_cast %mul3A_156 : i32 to index
      %swap3A_225 = tpu.vector_load %arg19[%swap3A_224] {strides = array<i32>} : memref<256xf32, #tpu.memory_space<vmem>>, vector<16xf32>,
      tpu.vector_store %arg19[%swap3A_224], %mul3A_223 {strides = array<i32>} : memref<256xf32, #tpu.memory_space<vmem>>, vector<16xf32>,
      %broadcast_in_dim3A_226 = arith.constant true
      %broadcast_in_dim3A_227 = vector.broadcast %broadcast_in_dim3A_226 : i1 to vector<16xi1>
      %unique3A, %unique3A_228 = tpu.scan_count mask(%broadcast_in_dim3A_227 : vector<16xi1>) value(%gather3A : vector<16xi32>) : vector<16xi1>, vector<16xi32>
      tpu.vector_store_idx %arg20[%gather3A], %add3A_160 masked %unique3A : memref<256xi32, #tpu.memory_space<vmem>>[vector<16xi32>], vector<16xi32>, vector<16xi1>
    }
    %scan3A_73 = arith.constant 16 : i32
    %scan3A_74 = arith.constant 0 : i32
    %scan3A_75 = arith.constant 0 : i32
    %scan3A_76 = arith.constant 16 : i32
    %scan3A_77 = arith.addi %scan3A_75, %scan3A_76 : i32
    %scan3A_78 = arith.constant 1 : i32
    scf.for %scan3A_154 = %scan3A_75 to %scan3A_77 step %scan3A_78  : i32 {
      %mul3A_155 = arith.constant 16 : i32
      %mul3A_156 = arith.muli %scan3A_154, %mul3A_155 : i32
      %get3A = arith.index_cast %mul3A_156 : i32 to index
      %get3A_157 = tpu.vector_load %arg12[%get3A] {strides = array<i32>} : memref<256xi32, #tpu.memory_space<vmem>>, vector<16xi32>,
      %mul3A_158 = arith.constant 16 : i32
      %mul3A_159 = arith.muli %scan3A_154, %mul3A_158 : i32
      %add3A_160 = vector.broadcast %mul3A_159 : i32 to vector<16xi32>
      %add3A_161 = arith.addi %add3A_160, %iota3A : vector<16xi32>
      %gather3A = tpu.vector_load_idx %arg20[%get3A_157] : memref<256xi32, #tpu.memory_space<vmem>>[vector<16xi32>], vector<16xi32>,
      %eq3A = arith.cmpi eq, %gather3A, %add3A_161 : vector<16xi32>
      %convert_element_type3A = arith.extui %eq3A : vector<16xi1> to vector<16xi32>
      %swap3A_162 = arith.index_cast %mul3A_156 : i32 to index
      %swap3A_163 = tpu.vector_load %arg14[%swap3A_162] {strides = array<i32>} : memref<256xi32, #tpu.memory_space<vmem>>, vector<16xi32>,
      tpu.vector_store %arg14[%swap3A_162], %convert_element_type3A {strides = array<i32>} : memref<256xi32, #tpu.memory_space<vmem>>, vector<16xi32>,
      %get3A_164 = arith.index_cast %mul3A_156 : i32 to index
      %get3A_165 = tpu.vector_load %arg13[%get3A_164] {strides = array<i32>} : memref<256xi32, #tpu.memory_space<vmem>>, vector<16xi32>,
      tpu.vector_store_idx %arg21[%get3A_165], %broadcast_in_dim3A_1 masked %eq3A {add = true} : memref<32xi32, #tpu.memory_space<vmem>>[vector<16xi32>], vector<16xi32>, vector<16xi1>
    }
    %scan3A_79 = arith.constant 16 : i32
    %mul3A_80 = arith.constant 256 : i32
    %mul3A_81 = vector.broadcast %mul3A_80 : i32 to vector<16xi32>
    %mul3A_82 = arith.muli %iota3A, %mul3A_81 : vector<16xi32>
    %swap3A_83 = arith.constant 0 : index
    %swap3A_84 = tpu.vector_load %arg22[%swap3A_83] {strides = array<i32>} : memref<16xi32, #tpu.memory_space<vmem>>, vector<16xi32>,
    tpu.vector_store %arg22[%swap3A_83], %mul3A_82 {strides = array<i32>} : memref<16xi32, #tpu.memory_space<vmem>>, vector<16xi32>,
    %scan3A_85 = arith.constant 0 : i32
    %scan3A_86 = arith.constant 0 : i32
    %scan3A_87 = arith.constant 16 : i32
    %scan3A_88 = arith.addi %scan3A_86, %scan3A_87 : i32
    %scan3A_89 = arith.constant 1 : i32
    scf.for %scan3A_154 = %scan3A_86 to %scan3A_88 step %scan3A_89  : i32 {
      %mul3A_155 = arith.constant 16 : i32
      %mul3A_156 = arith.muli %scan3A_154, %mul3A_155 : i32
      %get3A = arith.index_cast %mul3A_156 : i32 to index
      %get3A_157 = tpu.vector_load %arg14[%get3A] {strides = array<i32>} : memref<256xi32, #tpu.memory_space<vmem>>, vector<16xi32>,
      %ne3A = arith.constant 0 : i32
      %ne3A_158 = vector.broadcast %ne3A : i32 to vector<16xi32>
      %ne3A_159 = arith.cmpi ne, %get3A_157, %ne3A_158 : vector<16xi32>
      %get3A_160 = arith.index_cast %mul3A_156 : i32 to index
      %get3A_161 = tpu.vector_load %arg13[%get3A_160] {strides = array<i32>} : memref<256xi32, #tpu.memory_space<vmem>>, vector<16xi32>,
      %unique3A, %unique3A_162 = tpu.scan_count mask(%ne3A_159 : vector<16xi1>) value(%get3A_161 : vector<16xi32>) : vector<16xi1>, vector<16xi32>
      %gather3A = tpu.vector_load_idx %arg22[%get3A_161] : memref<16xi32, #tpu.memory_space<vmem>>[vector<16xi32>], vector<16xi32>,
      %add3A_163 = arith.addi %gather3A, %unique3A_162 : vector<16xi32>
      %sub3A = arith.constant 1 : i32
      %sub3A_164 = vector.broadcast %sub3A : i32 to vector<16xi32>
      %sub3A_165 = arith.subi %add3A_163, %sub3A_164 : vector<16xi32>
      %get3A_166 = arith.index_cast %mul3A_156 : i32 to index
      %get3A_167 = tpu.vector_load %arg15[%get3A_166] {strides = array<i32>} : memref<256xf32, #tpu.memory_space<vmem>>, vector<16xf32>,
      tpu.vector_store_idx %arg23[%sub3A_165], %get3A_167 masked %ne3A_159 : memref<4096xf32, #tpu.memory_space<vmem>>[vector<16xi32>], vector<16xf32>, vector<16xi1>
      %get3A_168 = arith.index_cast %mul3A_156 : i32 to index
      %get3A_169 = tpu.vector_load %arg16[%get3A_168] {strides = array<i32>} : memref<256xf32, #tpu.memory_space<vmem>>, vector<16xf32>,
      tpu.vector_store_idx %arg24[%sub3A_165], %get3A_169 masked %ne3A_159 : memref<4096xf32, #tpu.memory_space<vmem>>[vector<16xi32>], vector<16xf32>, vector<16xi1>
      %get3A_170 = arith.index_cast %mul3A_156 : i32 to index
      %get3A_171 = tpu.vector_load %arg17[%get3A_170] {strides = array<i32>} : memref<256xf32, #tpu.memory_space<vmem>>, vector<16xf32>,
      tpu.vector_store_idx %arg25[%sub3A_165], %get3A_171 masked %ne3A_159 : memref<4096xf32, #tpu.memory_space<vmem>>[vector<16xi32>], vector<16xf32>, vector<16xi1>
      %get3A_172 = arith.index_cast %mul3A_156 : i32 to index
      %get3A_173 = tpu.vector_load %arg18[%get3A_172] {strides = array<i32>} : memref<256xf32, #tpu.memory_space<vmem>>, vector<16xf32>,
      tpu.vector_store_idx %arg26[%sub3A_165], %get3A_173 masked %ne3A_159 : memref<4096xf32, #tpu.memory_space<vmem>>[vector<16xi32>], vector<16xf32>, vector<16xi1>
      %get3A_174 = arith.index_cast %mul3A_156 : i32 to index
      %get3A_175 = tpu.vector_load %arg19[%get3A_174] {strides = array<i32>} : memref<256xf32, #tpu.memory_space<vmem>>, vector<16xf32>,
      tpu.vector_store_idx %arg27[%sub3A_165], %get3A_175 masked %ne3A_159 : memref<4096xf32, #tpu.memory_space<vmem>>[vector<16xi32>], vector<16xf32>, vector<16xi1>
      tpu.vector_store_idx %arg22[%get3A_161], %broadcast_in_dim3A_1 masked %ne3A_159 {add = true} : memref<16xi32, #tpu.memory_space<vmem>>[vector<16xi32>], vector<16xi32>, vector<16xi1>
    }
    %scan3A_90 = arith.constant 16 : i32
    %scan3A_91 = arith.constant 0 : i32
    %scan3A_92 = arith.constant 16 : i32
    %scan3A_93 = arith.addi %scan3A_91, %scan3A_92 : i32
    %scan3A_94 = arith.constant 1 : i32
    %scan3A_95:2 = scf.for %scan3A_154 = %scan3A_91 to %scan3A_93 step %scan3A_94 iter_args(%scan3A_155 = %broadcast_in_dim3A_3, %scan3A_156 = %broadcast_in_dim3A_5) -> (vector<16xf32>, vector<16xf32>)  : i32 {
      %mul3A_157 = arith.constant 256 : i32
      %mul3A_158 = arith.muli %scan3A_154, %mul3A_157 : i32
      %get3A = arith.index_cast %scan3A_154 : i32 to index
      %get3A_159 = tpu.vector_load %arg21[%get3A] {strides = array<i32>} : memref<32xi32, #tpu.memory_space<vmem>>, vector<16xi32>,
      %slice3A = vector.extract_strided_slice %get3A_159 {offsets = [0], sizes = [1], strides = [1]} : vector<16xi32> to vector<1xi32>
      %squeeze3A = vector.extract %slice3A[0] : i32 from vector<1xi32>
      %le3A = arith.constant 16 : i32
      %le3A_160 = arith.cmpi sle, %squeeze3A, %le3A : i32
      %convert_element_type3A = arith.extui %le3A_160 : i1 to i32
      %cond3A = arith.constant 0 : i32
      %cond3A_161 = arith.cmpi ne, %convert_element_type3A, %cond3A : i32
      %cond3A_162:2 = scf.if %cond3A_161 -> (vector<16xf32>, vector<16xf32>) {
        %get3A_163 = arith.index_cast %mul3A_158 : i32 to index
        %get3A_164 = tpu.vector_load %arg23[%get3A_163] {strides = array<i32>} : memref<4096xf32, #tpu.memory_space<vmem>>, vector<16xf32>,
        %get3A_165 = arith.index_cast %mul3A_158 : i32 to index
        %get3A_166 = tpu.vector_load %arg24[%get3A_165] {strides = array<i32>} : memref<4096xf32, #tpu.memory_space<vmem>>, vector<16xf32>,
        %get3A_167 = arith.index_cast %mul3A_158 : i32 to index
        %get3A_168 = tpu.vector_load %arg25[%get3A_167] {strides = array<i32>} : memref<4096xf32, #tpu.memory_space<vmem>>, vector<16xf32>,
        %get3A_169 = arith.index_cast %mul3A_158 : i32 to index
        %get3A_170 = tpu.vector_load %arg26[%get3A_169] {strides = array<i32>} : memref<4096xf32, #tpu.memory_space<vmem>>, vector<16xf32>,
        %get3A_171 = arith.index_cast %mul3A_158 : i32 to index
        %get3A_172 = tpu.vector_load %arg27[%get3A_171] {strides = array<i32>} : memref<4096xf32, #tpu.memory_space<vmem>>, vector<16xf32>,
        %lt3A = vector.broadcast %squeeze3A : i32 to vector<16xi32>
        %lt3A_173 = arith.cmpi slt, %iota3A, %lt3A : vector<16xi32>
        %sub3A = arith.constant 1 : i32
        %sub3A_174 = arith.subi %squeeze3A, %sub3A : i32
        %while3A = arith.constant 0 : i32
        %while3A_175 = arith.subi %sub3A_174, %while3A : i32
        %while3A_176 = arith.addi %while3A, %while3A_175 : i32
        %while3A_177 = arith.constant 1 : i32
        %while3A_178 = arith.divsi %while3A_175, %while3A_177 : i32
        %while3A_179 = arith.muli %while3A_178, %while3A_177 : i32
        %while3A_180 = arith.addi %while3A, %while3A_179 : i32
        %while3A_181 = arith.constant 1 : i32
        %while3A_182:2 = scf.for %while3A_185 = %while3A to %while3A_180 step %while3A_181 iter_args(%while3A_186 = %scan3A_155, %while3A_187 = %scan3A_156) -> (vector<16xf32>, vector<16xf32>)  : i32 {
          %add3A_188 = arith.addi %mul3A_158, %while3A_185 : i32
          %broadcast_in_dim3A_189 = vector.broadcast %add3A_188 : i32 to vector<16xi32>
          %gather3A = tpu.vector_load_idx %arg23[%broadcast_in_dim3A_189] : memref<4096xf32, #tpu.memory_space<vmem>>[vector<16xi32>], vector<16xf32>,
          %gather3A_190 = tpu.vector_load_idx %arg24[%broadcast_in_dim3A_189] : memref<4096xf32, #tpu.memory_space<vmem>>[vector<16xi32>], vector<16xf32>,
          %gather3A_191 = tpu.vector_load_idx %arg25[%broadcast_in_dim3A_189] : memref<4096xf32, #tpu.memory_space<vmem>>[vector<16xi32>], vector<16xf32>,
          %gather3A_192 = tpu.vector_load_idx %arg26[%broadcast_in_dim3A_189] : memref<4096xf32, #tpu.memory_space<vmem>>[vector<16xi32>], vector<16xf32>,
          %gather3A_193 = tpu.vector_load_idx %arg27[%broadcast_in_dim3A_189] : memref<4096xf32, #tpu.memory_space<vmem>>[vector<16xi32>], vector<16xf32>,
          %gt3A = vector.broadcast %while3A_185 : i32 to vector<16xi32>
          %gt3A_194 = arith.cmpi sgt, %iota3A, %gt3A : vector<16xi32>
          %and3A = arith.andi %gt3A_194, %lt3A_173 : vector<16xi1>
          %max3A = arith.maximumf %gather3A, %get3A_164 : vector<16xf32>
          %max3A_195 = arith.maximumf %gather3A_190, %get3A_166 : vector<16xf32>
          %min3A = arith.minimumf %gather3A_191, %get3A_168 : vector<16xf32>
          %min3A_196 = arith.minimumf %gather3A_192, %get3A_170 : vector<16xf32>
          %ge3A = arith.cmpf oge, %min3A, %max3A : vector<16xf32>
          %ge3A_197 = arith.cmpf oge, %min3A_196, %max3A_195 : vector<16xf32>
          %and3A_198 = arith.andi %ge3A, %ge3A_197 : vector<16xi1>
          %and3A_199 = arith.andi %and3A_198, %and3A : vector<16xi1>
          %sub3A_200 = arith.subf %min3A, %max3A : vector<16xf32>
          %sub3A_201 = arith.subf %min3A_196, %max3A_195 : vector<16xf32>
          %mul3A_202 = arith.mulf %sub3A_200, %sub3A_201 : vector<16xf32>
          %min3A_203 = arith.minimumf %gather3A_193, %get3A_172 : vector<16xf32>
          %div3A = arith.divf %mul3A_202, %min3A_203 : vector<16xf32>
          %jit3A = arith.constant 0.000000e+00 : f32
          %broadcast_in_dim3A_204 = vector.broadcast %jit3A : f32 to vector<16xf32>
          %select_n3A = arith.select %and3A_199, %div3A, %broadcast_in_dim3A_204 : vector<16xi1>, vector<16xf32>
          %add3A_205 = arith.addf %while3A_186, %select_n3A : vector<16xf32>
          %convert_element_type3A_206 = arith.extui %and3A_199 : vector<16xi1> to vector<16xi32>
          %convert_element_type3A_207 = arith.sitofp %convert_element_type3A_206 : vector<16xi32> to vector<16xf32>
          %add3A_208 = arith.addf %while3A_187, %convert_element_type3A_207 : vector<16xf32>
          scf.yield %add3A_205, %add3A_208 : vector<16xf32>, vector<16xf32>
        }
        %while3A_183 = arith.constant 1 : i32
        %while3A_184:2 = scf.for %while3A_185 = %while3A_180 to %while3A_176 step %while3A_183 iter_args(%while3A_186 = %while3A_182#0, %while3A_187 = %while3A_182#1) -> (vector<16xf32>, vector<16xf32>)  : i32 {
          %add3A_188 = arith.addi %mul3A_158, %while3A_185 : i32
          %broadcast_in_dim3A_189 = vector.broadcast %add3A_188 : i32 to vector<16xi32>
          %gather3A = tpu.vector_load_idx %arg23[%broadcast_in_dim3A_189] : memref<4096xf32, #tpu.memory_space<vmem>>[vector<16xi32>], vector<16xf32>,
          %gather3A_190 = tpu.vector_load_idx %arg24[%broadcast_in_dim3A_189] : memref<4096xf32, #tpu.memory_space<vmem>>[vector<16xi32>], vector<16xf32>,
          %gather3A_191 = tpu.vector_load_idx %arg25[%broadcast_in_dim3A_189] : memref<4096xf32, #tpu.memory_space<vmem>>[vector<16xi32>], vector<16xf32>,
          %gather3A_192 = tpu.vector_load_idx %arg26[%broadcast_in_dim3A_189] : memref<4096xf32, #tpu.memory_space<vmem>>[vector<16xi32>], vector<16xf32>,
          %gather3A_193 = tpu.vector_load_idx %arg27[%broadcast_in_dim3A_189] : memref<4096xf32, #tpu.memory_space<vmem>>[vector<16xi32>], vector<16xf32>,
          %gt3A = vector.broadcast %while3A_185 : i32 to vector<16xi32>
          %gt3A_194 = arith.cmpi sgt, %iota3A, %gt3A : vector<16xi32>
          %and3A = arith.andi %gt3A_194, %lt3A_173 : vector<16xi1>
          %max3A = arith.maximumf %gather3A, %get3A_164 : vector<16xf32>
          %max3A_195 = arith.maximumf %gather3A_190, %get3A_166 : vector<16xf32>
          %min3A = arith.minimumf %gather3A_191, %get3A_168 : vector<16xf32>
          %min3A_196 = arith.minimumf %gather3A_192, %get3A_170 : vector<16xf32>
          %ge3A = arith.cmpf oge, %min3A, %max3A : vector<16xf32>
          %ge3A_197 = arith.cmpf oge, %min3A_196, %max3A_195 : vector<16xf32>
          %and3A_198 = arith.andi %ge3A, %ge3A_197 : vector<16xi1>
          %and3A_199 = arith.andi %and3A_198, %and3A : vector<16xi1>
          %sub3A_200 = arith.subf %min3A, %max3A : vector<16xf32>
          %sub3A_201 = arith.subf %min3A_196, %max3A_195 : vector<16xf32>
          %mul3A_202 = arith.mulf %sub3A_200, %sub3A_201 : vector<16xf32>
          %min3A_203 = arith.minimumf %gather3A_193, %get3A_172 : vector<16xf32>
          %div3A = arith.divf %mul3A_202, %min3A_203 : vector<16xf32>
          %jit3A = arith.constant 0.000000e+00 : f32
          %broadcast_in_dim3A_204 = vector.broadcast %jit3A : f32 to vector<16xf32>
          %select_n3A = arith.select %and3A_199, %div3A, %broadcast_in_dim3A_204 : vector<16xi1>, vector<16xf32>
          %add3A_205 = arith.addf %while3A_186, %select_n3A : vector<16xf32>
          %convert_element_type3A_206 = arith.extui %and3A_199 : vector<16xi1> to vector<16xi32>
          %convert_element_type3A_207 = arith.sitofp %convert_element_type3A_206 : vector<16xi32> to vector<16xf32>
          %add3A_208 = arith.addf %while3A_187, %convert_element_type3A_207 : vector<16xf32>
          scf.yield %add3A_205, %add3A_208 : vector<16xf32>, vector<16xf32>
        }
        scf.yield %while3A_184#0, %while3A_184#1 : vector<16xf32>, vector<16xf32>
      } else {
        %mul3A_163 = arith.constant 16 : i32
        %mul3A_164 = arith.muli %scan3A_154, %mul3A_163 : i32
        %add3A_165 = arith.constant 15 : i32
        %add3A_166 = arith.addi %squeeze3A, %add3A_165 : i32
        %jit3A = arith.constant 16 : i32
        %div3A = arith.divsi %add3A_166, %jit3A : i32
        %sign3A = arith.constant 0 : i32
        %sign3A_167 = arith.cmpi sgt, %add3A_166, %sign3A : i32
        %sign3A_168 = arith.extui %sign3A_167 : i1 to i32
        %sign3A_169 = arith.constant 0 : i32
        %sign3A_170 = arith.cmpi slt, %add3A_166, %sign3A_169 : i32
        %sign3A_171 = arith.extui %sign3A_170 : i1 to i32
        %sign3A_172 = arith.subi %sign3A_168, %sign3A_171 : i32
        %sign3A_173 = arith.constant 0 : i32
        %sign3A_174 = arith.cmpi sgt, %jit3A, %sign3A_173 : i32
        %sign3A_175 = arith.extui %sign3A_174 : i1 to i32
        %sign3A_176 = arith.constant 0 : i32
        %sign3A_177 = arith.cmpi slt, %jit3A, %sign3A_176 : i32
        %sign3A_178 = arith.extui %sign3A_177 : i1 to i32
        %sign3A_179 = arith.subi %sign3A_175, %sign3A_178 : i32
        %ne3A = arith.cmpi ne, %sign3A_172, %sign3A_179 : i32
        %rem3A = arith.remsi %add3A_166, %jit3A : i32
        %ne3A_180 = arith.constant 0 : i32
        %ne3A_181 = arith.cmpi ne, %rem3A, %ne3A_180 : i32
        %and3A = arith.andi %ne3A, %ne3A_181 : i1
        %sub3A = arith.constant 1 : i32
        %sub3A_182 = arith.subi %div3A, %sub3A : i32
        %select_n3A = arith.select %and3A, %sub3A_182, %div3A : i32
        %add3A_183 = arith.addi %mul3A_164, %select_n3A : i32
        %add3A_184 = arith.addi %mul3A_158, %squeeze3A : i32
        %sub3A_185 = arith.constant 1 : i32
        %sub3A_186 = arith.subi %squeeze3A, %sub3A_185 : i32
        %while3A = arith.constant 0 : i32
        %while3A_187 = arith.subi %sub3A_186, %while3A : i32
        %while3A_188 = arith.addi %while3A, %while3A_187 : i32
        %while3A_189 = arith.constant 1 : i32
        %while3A_190 = arith.divsi %while3A_187, %while3A_189 : i32
        %while3A_191 = arith.muli %while3A_190, %while3A_189 : i32
        %while3A_192 = arith.addi %while3A, %while3A_191 : i32
        %while3A_193 = arith.constant 1 : i32
        %while3A_194:2 = scf.for %while3A_197 = %while3A to %while3A_192 step %while3A_193 iter_args(%while3A_198 = %scan3A_155, %while3A_199 = %scan3A_156) -> (vector<16xf32>, vector<16xf32>)  : i32 {
          %add3A_200 = arith.addi %mul3A_158, %while3A_197 : i32
          %broadcast_in_dim3A_201 = vector.broadcast %add3A_200 : i32 to vector<16xi32>
          %gather3A = tpu.vector_load_idx %arg23[%broadcast_in_dim3A_201] : memref<4096xf32, #tpu.memory_space<vmem>>[vector<16xi32>], vector<16xf32>,
          %gather3A_202 = tpu.vector_load_idx %arg24[%broadcast_in_dim3A_201] : memref<4096xf32, #tpu.memory_space<vmem>>[vector<16xi32>], vector<16xf32>,
          %gather3A_203 = tpu.vector_load_idx %arg25[%broadcast_in_dim3A_201] : memref<4096xf32, #tpu.memory_space<vmem>>[vector<16xi32>], vector<16xf32>,
          %gather3A_204 = tpu.vector_load_idx %arg26[%broadcast_in_dim3A_201] : memref<4096xf32, #tpu.memory_space<vmem>>[vector<16xi32>], vector<16xf32>,
          %gather3A_205 = tpu.vector_load_idx %arg27[%broadcast_in_dim3A_201] : memref<4096xf32, #tpu.memory_space<vmem>>[vector<16xi32>], vector<16xf32>,
          %jit3A_206 = arith.constant 16 : i32
          %div3A_207 = arith.divsi %add3A_200, %jit3A_206 : i32
          %sign3A_208 = arith.constant 0 : i32
          %sign3A_209 = arith.cmpi sgt, %add3A_200, %sign3A_208 : i32
          %sign3A_210 = arith.extui %sign3A_209 : i1 to i32
          %sign3A_211 = arith.constant 0 : i32
          %sign3A_212 = arith.cmpi slt, %add3A_200, %sign3A_211 : i32
          %sign3A_213 = arith.extui %sign3A_212 : i1 to i32
          %sign3A_214 = arith.subi %sign3A_210, %sign3A_213 : i32
          %sign3A_215 = arith.constant 0 : i32
          %sign3A_216 = arith.cmpi sgt, %jit3A_206, %sign3A_215 : i32
          %sign3A_217 = arith.extui %sign3A_216 : i1 to i32
          %sign3A_218 = arith.constant 0 : i32
          %sign3A_219 = arith.cmpi slt, %jit3A_206, %sign3A_218 : i32
          %sign3A_220 = arith.extui %sign3A_219 : i1 to i32
          %sign3A_221 = arith.subi %sign3A_217, %sign3A_220 : i32
          %ne3A_222 = arith.cmpi ne, %sign3A_214, %sign3A_221 : i32
          %rem3A_223 = arith.remsi %add3A_200, %jit3A_206 : i32
          %ne3A_224 = arith.constant 0 : i32
          %ne3A_225 = arith.cmpi ne, %rem3A_223, %ne3A_224 : i32
          %and3A_226 = arith.andi %ne3A_222, %ne3A_225 : i1
          %sub3A_227 = arith.constant 1 : i32
          %sub3A_228 = arith.subi %div3A_207, %sub3A_227 : i32
          %select_n3A_229 = arith.select %and3A_226, %sub3A_228, %div3A_207 : i32
          %while3A_230 = arith.subi %add3A_183, %select_n3A_229 : i32
          %while3A_231 = arith.addi %select_n3A_229, %while3A_230 : i32
          %while3A_232 = arith.constant 1 : i32
          %while3A_233 = arith.divsi %while3A_230, %while3A_232 : i32
          %while3A_234 = arith.muli %while3A_233, %while3A_232 : i32
          %while3A_235 = arith.addi %select_n3A_229, %while3A_234 : i32
          %while3A_236 = arith.constant 1 : i32
          %while3A_237:2 = scf.for %while3A_240 = %select_n3A_229 to %while3A_235 step %while3A_236 iter_args(%while3A_241 = %while3A_198, %while3A_242 = %while3A_199) -> (vector<16xf32>, vector<16xf32>)  : i32 {
            %mul3A_243 = arith.constant 16 : i32
            %mul3A_244 = arith.muli %while3A_240, %mul3A_243 : i32
            %mul3A_245 = arith.constant 16 : i32
            %mul3A_246 = arith.muli %while3A_240, %mul3A_245 : i32
            %add3A_247 = vector.broadcast %mul3A_246 : i32 to vector<16xi32>
            %add3A_248 = arith.addi %add3A_247, %iota3A : vector<16xi32>
            %gt3A = vector.broadcast %add3A_200 : i32 to vector<16xi32>
            %gt3A_249 = arith.cmpi sgt, %add3A_248, %gt3A : vector<16xi32>
            %lt3A = vector.broadcast %add3A_184 : i32 to vector<16xi32>
            %lt3A_250 = arith.cmpi slt, %add3A_248, %lt3A : vector<16xi32>
            %and3A_251 = arith.andi %gt3A_249, %lt3A_250 : vector<16xi1>
            %get3A_252 = arith.index_cast %mul3A_244 : i32 to index
            %get3A_253 = tpu.vector_load %arg23[%get3A_252] {strides = array<i32>} : memref<4096xf32, #tpu.memory_space<vmem>>, vector<16xf32>,
            %max3A = arith.maximumf %gather3A, %get3A_253 : vector<16xf32>
            %get3A_254 = arith.index_cast %mul3A_244 : i32 to index
            %get3A_255 = tpu.vector_load %arg24[%get3A_254] {strides = array<i32>} : memref<4096xf32, #tpu.memory_space<vmem>>, vector<16xf32>,
            %max3A_256 = arith.maximumf %gather3A_202, %get3A_255 : vector<16xf32>
            %get3A_257 = arith.index_cast %mul3A_244 : i32 to index
            %get3A_258 = tpu.vector_load %arg25[%get3A_257] {strides = array<i32>} : memref<4096xf32, #tpu.memory_space<vmem>>, vector<16xf32>,
            %min3A = arith.minimumf %gather3A_203, %get3A_258 : vector<16xf32>
            %get3A_259 = arith.index_cast %mul3A_244 : i32 to index
            %get3A_260 = tpu.vector_load %arg26[%get3A_259] {strides = array<i32>} : memref<4096xf32, #tpu.memory_space<vmem>>, vector<16xf32>,
            %min3A_261 = arith.minimumf %gather3A_204, %get3A_260 : vector<16xf32>
            %ge3A = arith.cmpf oge, %min3A, %max3A : vector<16xf32>
            %ge3A_262 = arith.cmpf oge, %min3A_261, %max3A_256 : vector<16xf32>
            %and3A_263 = arith.andi %ge3A, %ge3A_262 : vector<16xi1>
            %and3A_264 = arith.andi %and3A_263, %and3A_251 : vector<16xi1>
            %sub3A_265 = arith.subf %min3A, %max3A : vector<16xf32>
            %sub3A_266 = arith.subf %min3A_261, %max3A_256 : vector<16xf32>
            %mul3A_267 = arith.mulf %sub3A_265, %sub3A_266 : vector<16xf32>
            %get3A_268 = arith.index_cast %mul3A_244 : i32 to index
            %get3A_269 = tpu.vector_load %arg27[%get3A_268] {strides = array<i32>} : memref<4096xf32, #tpu.memory_space<vmem>>, vector<16xf32>,
            %min3A_270 = arith.minimumf %gather3A_205, %get3A_269 : vector<16xf32>
            %div3A_271 = arith.divf %mul3A_267, %min3A_270 : vector<16xf32>
            %jit3A_272 = arith.constant 0.000000e+00 : f32
            %broadcast_in_dim3A_273 = vector.broadcast %jit3A_272 : f32 to vector<16xf32>
            %select_n3A_274 = arith.select %and3A_264, %div3A_271, %broadcast_in_dim3A_273 : vector<16xi1>, vector<16xf32>
            %add3A_275 = arith.addf %while3A_241, %select_n3A_274 : vector<16xf32>
            %convert_element_type3A_276 = arith.extui %and3A_264 : vector<16xi1> to vector<16xi32>
            %convert_element_type3A_277 = arith.sitofp %convert_element_type3A_276 : vector<16xi32> to vector<16xf32>
            %add3A_278 = arith.addf %while3A_242, %convert_element_type3A_277 : vector<16xf32>
            scf.yield %add3A_275, %add3A_278 : vector<16xf32>, vector<16xf32>
          }
          %while3A_238 = arith.constant 1 : i32
          %while3A_239:2 = scf.for %while3A_240 = %while3A_235 to %while3A_231 step %while3A_238 iter_args(%while3A_241 = %while3A_237#0, %while3A_242 = %while3A_237#1) -> (vector<16xf32>, vector<16xf32>)  : i32 {
            %mul3A_243 = arith.constant 16 : i32
            %mul3A_244 = arith.muli %while3A_240, %mul3A_243 : i32
            %mul3A_245 = arith.constant 16 : i32
            %mul3A_246 = arith.muli %while3A_240, %mul3A_245 : i32
            %add3A_247 = vector.broadcast %mul3A_246 : i32 to vector<16xi32>
            %add3A_248 = arith.addi %add3A_247, %iota3A : vector<16xi32>
            %gt3A = vector.broadcast %add3A_200 : i32 to vector<16xi32>
            %gt3A_249 = arith.cmpi sgt, %add3A_248, %gt3A : vector<16xi32>
            %lt3A = vector.broadcast %add3A_184 : i32 to vector<16xi32>
            %lt3A_250 = arith.cmpi slt, %add3A_248, %lt3A : vector<16xi32>
            %and3A_251 = arith.andi %gt3A_249, %lt3A_250 : vector<16xi1>
            %get3A_252 = arith.index_cast %mul3A_244 : i32 to index
            %get3A_253 = tpu.vector_load %arg23[%get3A_252] {strides = array<i32>} : memref<4096xf32, #tpu.memory_space<vmem>>, vector<16xf32>,
            %max3A = arith.maximumf %gather3A, %get3A_253 : vector<16xf32>
            %get3A_254 = arith.index_cast %mul3A_244 : i32 to index
            %get3A_255 = tpu.vector_load %arg24[%get3A_254] {strides = array<i32>} : memref<4096xf32, #tpu.memory_space<vmem>>, vector<16xf32>,
            %max3A_256 = arith.maximumf %gather3A_202, %get3A_255 : vector<16xf32>
            %get3A_257 = arith.index_cast %mul3A_244 : i32 to index
            %get3A_258 = tpu.vector_load %arg25[%get3A_257] {strides = array<i32>} : memref<4096xf32, #tpu.memory_space<vmem>>, vector<16xf32>,
            %min3A = arith.minimumf %gather3A_203, %get3A_258 : vector<16xf32>
            %get3A_259 = arith.index_cast %mul3A_244 : i32 to index
            %get3A_260 = tpu.vector_load %arg26[%get3A_259] {strides = array<i32>} : memref<4096xf32, #tpu.memory_space<vmem>>, vector<16xf32>,
            %min3A_261 = arith.minimumf %gather3A_204, %get3A_260 : vector<16xf32>
            %ge3A = arith.cmpf oge, %min3A, %max3A : vector<16xf32>
            %ge3A_262 = arith.cmpf oge, %min3A_261, %max3A_256 : vector<16xf32>
            %and3A_263 = arith.andi %ge3A, %ge3A_262 : vector<16xi1>
            %and3A_264 = arith.andi %and3A_263, %and3A_251 : vector<16xi1>
            %sub3A_265 = arith.subf %min3A, %max3A : vector<16xf32>
            %sub3A_266 = arith.subf %min3A_261, %max3A_256 : vector<16xf32>
            %mul3A_267 = arith.mulf %sub3A_265, %sub3A_266 : vector<16xf32>
            %get3A_268 = arith.index_cast %mul3A_244 : i32 to index
            %get3A_269 = tpu.vector_load %arg27[%get3A_268] {strides = array<i32>} : memref<4096xf32, #tpu.memory_space<vmem>>, vector<16xf32>,
            %min3A_270 = arith.minimumf %gather3A_205, %get3A_269 : vector<16xf32>
            %div3A_271 = arith.divf %mul3A_267, %min3A_270 : vector<16xf32>
            %jit3A_272 = arith.constant 0.000000e+00 : f32
            %broadcast_in_dim3A_273 = vector.broadcast %jit3A_272 : f32 to vector<16xf32>
            %select_n3A_274 = arith.select %and3A_264, %div3A_271, %broadcast_in_dim3A_273 : vector<16xi1>, vector<16xf32>
            %add3A_275 = arith.addf %while3A_241, %select_n3A_274 : vector<16xf32>
            %convert_element_type3A_276 = arith.extui %and3A_264 : vector<16xi1> to vector<16xi32>
            %convert_element_type3A_277 = arith.sitofp %convert_element_type3A_276 : vector<16xi32> to vector<16xf32>
            %add3A_278 = arith.addf %while3A_242, %convert_element_type3A_277 : vector<16xf32>
            scf.yield %add3A_275, %add3A_278 : vector<16xf32>, vector<16xf32>
          }
          scf.yield %while3A_239#0, %while3A_239#1 : vector<16xf32>, vector<16xf32>
        }
        %while3A_195 = arith.constant 1 : i32
        %while3A_196:2 = scf.for %while3A_197 = %while3A_192 to %while3A_188 step %while3A_195 iter_args(%while3A_198 = %while3A_194#0, %while3A_199 = %while3A_194#1) -> (vector<16xf32>, vector<16xf32>)  : i32 {
          %add3A_200 = arith.addi %mul3A_158, %while3A_197 : i32
          %broadcast_in_dim3A_201 = vector.broadcast %add3A_200 : i32 to vector<16xi32>
          %gather3A = tpu.vector_load_idx %arg23[%broadcast_in_dim3A_201] : memref<4096xf32, #tpu.memory_space<vmem>>[vector<16xi32>], vector<16xf32>,
          %gather3A_202 = tpu.vector_load_idx %arg24[%broadcast_in_dim3A_201] : memref<4096xf32, #tpu.memory_space<vmem>>[vector<16xi32>], vector<16xf32>,
          %gather3A_203 = tpu.vector_load_idx %arg25[%broadcast_in_dim3A_201] : memref<4096xf32, #tpu.memory_space<vmem>>[vector<16xi32>], vector<16xf32>,
          %gather3A_204 = tpu.vector_load_idx %arg26[%broadcast_in_dim3A_201] : memref<4096xf32, #tpu.memory_space<vmem>>[vector<16xi32>], vector<16xf32>,
          %gather3A_205 = tpu.vector_load_idx %arg27[%broadcast_in_dim3A_201] : memref<4096xf32, #tpu.memory_space<vmem>>[vector<16xi32>], vector<16xf32>,
          %jit3A_206 = arith.constant 16 : i32
          %div3A_207 = arith.divsi %add3A_200, %jit3A_206 : i32
          %sign3A_208 = arith.constant 0 : i32
          %sign3A_209 = arith.cmpi sgt, %add3A_200, %sign3A_208 : i32
          %sign3A_210 = arith.extui %sign3A_209 : i1 to i32
          %sign3A_211 = arith.constant 0 : i32
          %sign3A_212 = arith.cmpi slt, %add3A_200, %sign3A_211 : i32
          %sign3A_213 = arith.extui %sign3A_212 : i1 to i32
          %sign3A_214 = arith.subi %sign3A_210, %sign3A_213 : i32
          %sign3A_215 = arith.constant 0 : i32
          %sign3A_216 = arith.cmpi sgt, %jit3A_206, %sign3A_215 : i32
          %sign3A_217 = arith.extui %sign3A_216 : i1 to i32
          %sign3A_218 = arith.constant 0 : i32
          %sign3A_219 = arith.cmpi slt, %jit3A_206, %sign3A_218 : i32
          %sign3A_220 = arith.extui %sign3A_219 : i1 to i32
          %sign3A_221 = arith.subi %sign3A_217, %sign3A_220 : i32
          %ne3A_222 = arith.cmpi ne, %sign3A_214, %sign3A_221 : i32
          %rem3A_223 = arith.remsi %add3A_200, %jit3A_206 : i32
          %ne3A_224 = arith.constant 0 : i32
          %ne3A_225 = arith.cmpi ne, %rem3A_223, %ne3A_224 : i32
          %and3A_226 = arith.andi %ne3A_222, %ne3A_225 : i1
          %sub3A_227 = arith.constant 1 : i32
          %sub3A_228 = arith.subi %div3A_207, %sub3A_227 : i32
          %select_n3A_229 = arith.select %and3A_226, %sub3A_228, %div3A_207 : i32
          %while3A_230 = arith.subi %add3A_183, %select_n3A_229 : i32
          %while3A_231 = arith.addi %select_n3A_229, %while3A_230 : i32
          %while3A_232 = arith.constant 1 : i32
          %while3A_233 = arith.divsi %while3A_230, %while3A_232 : i32
          %while3A_234 = arith.muli %while3A_233, %while3A_232 : i32
          %while3A_235 = arith.addi %select_n3A_229, %while3A_234 : i32
          %while3A_236 = arith.constant 1 : i32
          %while3A_237:2 = scf.for %while3A_240 = %select_n3A_229 to %while3A_235 step %while3A_236 iter_args(%while3A_241 = %while3A_198, %while3A_242 = %while3A_199) -> (vector<16xf32>, vector<16xf32>)  : i32 {
            %mul3A_243 = arith.constant 16 : i32
            %mul3A_244 = arith.muli %while3A_240, %mul3A_243 : i32
            %mul3A_245 = arith.constant 16 : i32
            %mul3A_246 = arith.muli %while3A_240, %mul3A_245 : i32
            %add3A_247 = vector.broadcast %mul3A_246 : i32 to vector<16xi32>
            %add3A_248 = arith.addi %add3A_247, %iota3A : vector<16xi32>
            %gt3A = vector.broadcast %add3A_200 : i32 to vector<16xi32>
            %gt3A_249 = arith.cmpi sgt, %add3A_248, %gt3A : vector<16xi32>
            %lt3A = vector.broadcast %add3A_184 : i32 to vector<16xi32>
            %lt3A_250 = arith.cmpi slt, %add3A_248, %lt3A : vector<16xi32>
            %and3A_251 = arith.andi %gt3A_249, %lt3A_250 : vector<16xi1>
            %get3A_252 = arith.index_cast %mul3A_244 : i32 to index
            %get3A_253 = tpu.vector_load %arg23[%get3A_252] {strides = array<i32>} : memref<4096xf32, #tpu.memory_space<vmem>>, vector<16xf32>,
            %max3A = arith.maximumf %gather3A, %get3A_253 : vector<16xf32>
            %get3A_254 = arith.index_cast %mul3A_244 : i32 to index
            %get3A_255 = tpu.vector_load %arg24[%get3A_254] {strides = array<i32>} : memref<4096xf32, #tpu.memory_space<vmem>>, vector<16xf32>,
            %max3A_256 = arith.maximumf %gather3A_202, %get3A_255 : vector<16xf32>
            %get3A_257 = arith.index_cast %mul3A_244 : i32 to index
            %get3A_258 = tpu.vector_load %arg25[%get3A_257] {strides = array<i32>} : memref<4096xf32, #tpu.memory_space<vmem>>, vector<16xf32>,
            %min3A = arith.minimumf %gather3A_203, %get3A_258 : vector<16xf32>
            %get3A_259 = arith.index_cast %mul3A_244 : i32 to index
            %get3A_260 = tpu.vector_load %arg26[%get3A_259] {strides = array<i32>} : memref<4096xf32, #tpu.memory_space<vmem>>, vector<16xf32>,
            %min3A_261 = arith.minimumf %gather3A_204, %get3A_260 : vector<16xf32>
            %ge3A = arith.cmpf oge, %min3A, %max3A : vector<16xf32>
            %ge3A_262 = arith.cmpf oge, %min3A_261, %max3A_256 : vector<16xf32>
            %and3A_263 = arith.andi %ge3A, %ge3A_262 : vector<16xi1>
            %and3A_264 = arith.andi %and3A_263, %and3A_251 : vector<16xi1>
            %sub3A_265 = arith.subf %min3A, %max3A : vector<16xf32>
            %sub3A_266 = arith.subf %min3A_261, %max3A_256 : vector<16xf32>
            %mul3A_267 = arith.mulf %sub3A_265, %sub3A_266 : vector<16xf32>
            %get3A_268 = arith.index_cast %mul3A_244 : i32 to index
            %get3A_269 = tpu.vector_load %arg27[%get3A_268] {strides = array<i32>} : memref<4096xf32, #tpu.memory_space<vmem>>, vector<16xf32>,
            %min3A_270 = arith.minimumf %gather3A_205, %get3A_269 : vector<16xf32>
            %div3A_271 = arith.divf %mul3A_267, %min3A_270 : vector<16xf32>
            %jit3A_272 = arith.constant 0.000000e+00 : f32
            %broadcast_in_dim3A_273 = vector.broadcast %jit3A_272 : f32 to vector<16xf32>
            %select_n3A_274 = arith.select %and3A_264, %div3A_271, %broadcast_in_dim3A_273 : vector<16xi1>, vector<16xf32>
            %add3A_275 = arith.addf %while3A_241, %select_n3A_274 : vector<16xf32>
            %convert_element_type3A_276 = arith.extui %and3A_264 : vector<16xi1> to vector<16xi32>
            %convert_element_type3A_277 = arith.sitofp %convert_element_type3A_276 : vector<16xi32> to vector<16xf32>
            %add3A_278 = arith.addf %while3A_242, %convert_element_type3A_277 : vector<16xf32>
            scf.yield %add3A_275, %add3A_278 : vector<16xf32>, vector<16xf32>
          }
          %while3A_238 = arith.constant 1 : i32
          %while3A_239:2 = scf.for %while3A_240 = %while3A_235 to %while3A_231 step %while3A_238 iter_args(%while3A_241 = %while3A_237#0, %while3A_242 = %while3A_237#1) -> (vector<16xf32>, vector<16xf32>)  : i32 {
            %mul3A_243 = arith.constant 16 : i32
            %mul3A_244 = arith.muli %while3A_240, %mul3A_243 : i32
            %mul3A_245 = arith.constant 16 : i32
            %mul3A_246 = arith.muli %while3A_240, %mul3A_245 : i32
            %add3A_247 = vector.broadcast %mul3A_246 : i32 to vector<16xi32>
            %add3A_248 = arith.addi %add3A_247, %iota3A : vector<16xi32>
            %gt3A = vector.broadcast %add3A_200 : i32 to vector<16xi32>
            %gt3A_249 = arith.cmpi sgt, %add3A_248, %gt3A : vector<16xi32>
            %lt3A = vector.broadcast %add3A_184 : i32 to vector<16xi32>
            %lt3A_250 = arith.cmpi slt, %add3A_248, %lt3A : vector<16xi32>
            %and3A_251 = arith.andi %gt3A_249, %lt3A_250 : vector<16xi1>
            %get3A_252 = arith.index_cast %mul3A_244 : i32 to index
            %get3A_253 = tpu.vector_load %arg23[%get3A_252] {strides = array<i32>} : memref<4096xf32, #tpu.memory_space<vmem>>, vector<16xf32>,
            %max3A = arith.maximumf %gather3A, %get3A_253 : vector<16xf32>
            %get3A_254 = arith.index_cast %mul3A_244 : i32 to index
            %get3A_255 = tpu.vector_load %arg24[%get3A_254] {strides = array<i32>} : memref<4096xf32, #tpu.memory_space<vmem>>, vector<16xf32>,
            %max3A_256 = arith.maximumf %gather3A_202, %get3A_255 : vector<16xf32>
            %get3A_257 = arith.index_cast %mul3A_244 : i32 to index
            %get3A_258 = tpu.vector_load %arg25[%get3A_257] {strides = array<i32>} : memref<4096xf32, #tpu.memory_space<vmem>>, vector<16xf32>,
            %min3A = arith.minimumf %gather3A_203, %get3A_258 : vector<16xf32>
            %get3A_259 = arith.index_cast %mul3A_244 : i32 to index
            %get3A_260 = tpu.vector_load %arg26[%get3A_259] {strides = array<i32>} : memref<4096xf32, #tpu.memory_space<vmem>>, vector<16xf32>,
            %min3A_261 = arith.minimumf %gather3A_204, %get3A_260 : vector<16xf32>
            %ge3A = arith.cmpf oge, %min3A, %max3A : vector<16xf32>
            %ge3A_262 = arith.cmpf oge, %min3A_261, %max3A_256 : vector<16xf32>
            %and3A_263 = arith.andi %ge3A, %ge3A_262 : vector<16xi1>
            %and3A_264 = arith.andi %and3A_263, %and3A_251 : vector<16xi1>
            %sub3A_265 = arith.subf %min3A, %max3A : vector<16xf32>
            %sub3A_266 = arith.subf %min3A_261, %max3A_256 : vector<16xf32>
            %mul3A_267 = arith.mulf %sub3A_265, %sub3A_266 : vector<16xf32>
            %get3A_268 = arith.index_cast %mul3A_244 : i32 to index
            %get3A_269 = tpu.vector_load %arg27[%get3A_268] {strides = array<i32>} : memref<4096xf32, #tpu.memory_space<vmem>>, vector<16xf32>,
            %min3A_270 = arith.minimumf %gather3A_205, %get3A_269 : vector<16xf32>
            %div3A_271 = arith.divf %mul3A_267, %min3A_270 : vector<16xf32>
            %jit3A_272 = arith.constant 0.000000e+00 : f32
            %broadcast_in_dim3A_273 = vector.broadcast %jit3A_272 : f32 to vector<16xf32>
            %select_n3A_274 = arith.select %and3A_264, %div3A_271, %broadcast_in_dim3A_273 : vector<16xi1>, vector<16xf32>
            %add3A_275 = arith.addf %while3A_241, %select_n3A_274 : vector<16xf32>
            %convert_element_type3A_276 = arith.extui %and3A_264 : vector<16xi1> to vector<16xi32>
            %convert_element_type3A_277 = arith.sitofp %convert_element_type3A_276 : vector<16xi32> to vector<16xf32>
            %add3A_278 = arith.addf %while3A_242, %convert_element_type3A_277 : vector<16xf32>
            scf.yield %add3A_275, %add3A_278 : vector<16xf32>, vector<16xf32>
          }
          scf.yield %while3A_239#0, %while3A_239#1 : vector<16xf32>, vector<16xf32>
        }
        scf.yield %while3A_196#0, %while3A_196#1 : vector<16xf32>, vector<16xf32>
      }
      scf.yield %cond3A_162#0, %cond3A_162#1 : vector<16xf32>, vector<16xf32>
    }
    %scan3A_96 = arith.constant 16 : i32
    %dma_wait3A_97 = arith.constant 0 : i32
    %dma_wait3A_98 = tpu.memref_slice %arg2[%add3A_26, %dma_wait3A_97] : memref<64x512xi32, #tpu.memory_space<hbm>> -> memref<1x512xi32, #tpu.memory_space<hbm>>
    %dma_wait3A_99 = tpu.memref_squeeze %dma_wait3A_98 : memref<1x512xi32, #tpu.memory_space<hbm>> -> memref<512xi32, #tpu.memory_space<hbm>>
    %dma_wait3A_100 = arith.constant 0 : i32
    %dma_wait3A_101 = tpu.memref_slice %arg2[%add3A_26, %dma_wait3A_100] : memref<64x512xi32, #tpu.memory_space<hbm>> -> memref<1x512xi32, #tpu.memory_space<hbm>>
    %dma_wait3A_102 = tpu.memref_squeeze %dma_wait3A_101 : memref<1x512xi32, #tpu.memory_space<hbm>> -> memref<512xi32, #tpu.memory_space<hbm>>
    tpu.wait_dma2 semaphore(%arg30 : memref<!tpu.dma_semaphore, #tpu.memory_space<semaphore_mem>>) src(%dma_wait3A_102 : memref<512xi32, #tpu.memory_space<hbm>>) dst(%arg9 : memref<512xi32, #tpu.memory_space<vmem>>)
    %dma_wait3A_103 = arith.constant 0 : i32
    %dma_wait3A_104 = tpu.memref_slice %arg3[%add3A_34, %dma_wait3A_103] : memref<64x512xi32, #tpu.memory_space<hbm>> -> memref<1x512xi32, #tpu.memory_space<hbm>>
    %dma_wait3A_105 = tpu.memref_squeeze %dma_wait3A_104 : memref<1x512xi32, #tpu.memory_space<hbm>> -> memref<512xi32, #tpu.memory_space<hbm>>
    %dma_wait3A_106 = arith.constant 0 : i32
    %dma_wait3A_107 = tpu.memref_slice %arg3[%add3A_34, %dma_wait3A_106] : memref<64x512xi32, #tpu.memory_space<hbm>> -> memref<1x512xi32, #tpu.memory_space<hbm>>
    %dma_wait3A_108 = tpu.memref_squeeze %dma_wait3A_107 : memref<1x512xi32, #tpu.memory_space<hbm>> -> memref<512xi32, #tpu.memory_space<hbm>>
    tpu.wait_dma2 semaphore(%arg30 : memref<!tpu.dma_semaphore, #tpu.memory_space<semaphore_mem>>) src(%dma_wait3A_108 : memref<512xi32, #tpu.memory_space<hbm>>) dst(%arg10 : memref<512xi32, #tpu.memory_space<vmem>>)
    %dma_wait3A_109 = arith.constant 0 : i32
    %dma_wait3A_110 = tpu.memref_slice %arg4[%add3A_42, %dma_wait3A_109] : memref<64x2048xf32, #tpu.memory_space<hbm>> -> memref<1x2048xf32, #tpu.memory_space<hbm>>
    %dma_wait3A_111 = tpu.memref_squeeze %dma_wait3A_110 : memref<1x2048xf32, #tpu.memory_space<hbm>> -> memref<2048xf32, #tpu.memory_space<hbm>>
    %dma_wait3A_112 = arith.constant 0 : i32
    %dma_wait3A_113 = tpu.memref_slice %arg4[%add3A_42, %dma_wait3A_112] : memref<64x2048xf32, #tpu.memory_space<hbm>> -> memref<1x2048xf32, #tpu.memory_space<hbm>>
    %dma_wait3A_114 = tpu.memref_squeeze %dma_wait3A_113 : memref<1x2048xf32, #tpu.memory_space<hbm>> -> memref<2048xf32, #tpu.memory_space<hbm>>
    tpu.wait_dma2 semaphore(%arg30 : memref<!tpu.dma_semaphore, #tpu.memory_space<semaphore_mem>>) src(%dma_wait3A_114 : memref<2048xf32, #tpu.memory_space<hbm>>) dst(%arg11 : memref<2048xf32, #tpu.memory_space<vmem>>)
    %broadcast_in_dim3A_115 = arith.constant 0 : i32
    %broadcast_in_dim3A_116 = vector.broadcast %broadcast_in_dim3A_115 : i32 to vector<16xi32>
    %swap3A_117 = arith.constant 0 : index
    %swap3A_118 = tpu.vector_load %arg21[%swap3A_117] {strides = array<i32>} : memref<32xi32, #tpu.memory_space<vmem>>, vector<16xi32>,
    tpu.vector_store %arg21[%swap3A_117], %broadcast_in_dim3A_116 {strides = array<i32>} : memref<32xi32, #tpu.memory_space<vmem>>, vector<16xi32>,
    %scan3A_119 = arith.constant 0 : i32
    %scan3A_120 = arith.constant 0 : i32
    %scan3A_121 = arith.constant 16 : i32
    %scan3A_122 = arith.addi %scan3A_120, %scan3A_121 : i32
    %scan3A_123 = arith.constant 1 : i32
    scf.for %scan3A_154 = %scan3A_120 to %scan3A_122 step %scan3A_123  : i32 {
      %mul3A_155 = arith.constant 16 : i32
      %mul3A_156 = arith.muli %scan3A_154, %mul3A_155 : i32
      %mul3A_157 = arith.constant 16 : i32
      %mul3A_158 = arith.muli %scan3A_154, %mul3A_157 : i32
      %add3A_159 = vector.broadcast %mul3A_158 : i32 to vector<16xi32>
      %add3A_160 = arith.addi %add3A_159, %iota3A : vector<16xi32>
      %mul3A_161 = arith.constant 2 : i32
      %mul3A_162 = vector.broadcast %mul3A_161 : i32 to vector<16xi32>
      %mul3A_163 = arith.muli %mul3A_162, %add3A_160 : vector<16xi32>
      %add3A_164 = arith.constant 1 : i32
      %add3A_165 = vector.broadcast %add3A_164 : i32 to vector<16xi32>
      %add3A_166 = arith.addi %mul3A_163, %add3A_165 : vector<16xi32>
      %gather3A = tpu.vector_load_idx %arg9[%add3A_166] : memref<512xi32, #tpu.memory_space<vmem>>[vector<16xi32>], vector<16xi32>,
      %gather3A_167 = tpu.vector_load_idx %arg10[%add3A_166] : memref<512xi32, #tpu.memory_space<vmem>>[vector<16xi32>], vector<16xi32>,
      %swap3A_168 = arith.index_cast %mul3A_156 : i32 to index
      %swap3A_169 = tpu.vector_load %arg12[%swap3A_168] {strides = array<i32>} : memref<256xi32, #tpu.memory_space<vmem>>, vector<16xi32>,
      tpu.vector_store %arg12[%swap3A_168], %gather3A {strides = array<i32>} : memref<256xi32, #tpu.memory_space<vmem>>, vector<16xi32>,
      %swap3A_170 = arith.index_cast %mul3A_156 : i32 to index
      %swap3A_171 = tpu.vector_load %arg13[%swap3A_170] {strides = array<i32>} : memref<256xi32, #tpu.memory_space<vmem>>, vector<16xi32>,
      tpu.vector_store %arg13[%swap3A_170], %gather3A_167 {strides = array<i32>} : memref<256xi32, #tpu.memory_space<vmem>>, vector<16xi32>,
      %mul3A_172 = arith.constant 4 : i32
      %mul3A_173 = vector.broadcast %mul3A_172 : i32 to vector<16xi32>
      %mul3A_174 = arith.muli %mul3A_173, %add3A_166 : vector<16xi32>
      %gather3A_175 = tpu.vector_load_idx %arg11[%mul3A_174] : memref<2048xf32, #tpu.memory_space<vmem>>[vector<16xi32>], vector<16xf32>,
      %mul3A_176 = arith.constant 1.440000e+03 : f32
      %mul3A_177 = vector.broadcast %mul3A_176 : f32 to vector<16xf32>
      %mul3A_178 = arith.mulf %gather3A_175, %mul3A_177 : vector<16xf32>
      %add3A_179 = arith.constant 1 : i32
      %add3A_180 = vector.broadcast %add3A_179 : i32 to vector<16xi32>
      %add3A_181 = arith.addi %mul3A_174, %add3A_180 : vector<16xi32>
      %gather3A_182 = tpu.vector_load_idx %arg11[%add3A_181] : memref<2048xf32, #tpu.memory_space<vmem>>[vector<16xi32>], vector<16xf32>,
      %mul3A_183 = arith.constant 2.560000e+03 : f32
      %mul3A_184 = vector.broadcast %mul3A_183 : f32 to vector<16xf32>
      %mul3A_185 = arith.mulf %gather3A_182, %mul3A_184 : vector<16xf32>
      %add3A_186 = arith.constant 2 : i32
      %add3A_187 = vector.broadcast %add3A_186 : i32 to vector<16xi32>
      %add3A_188 = arith.addi %mul3A_174, %add3A_187 : vector<16xi32>
      %gather3A_189 = tpu.vector_load_idx %arg11[%add3A_188] : memref<2048xf32, #tpu.memory_space<vmem>>[vector<16xi32>], vector<16xf32>,
      %mul3A_190 = arith.constant 1.440000e+03 : f32
      %mul3A_191 = vector.broadcast %mul3A_190 : f32 to vector<16xf32>
      %mul3A_192 = arith.mulf %gather3A_189, %mul3A_191 : vector<16xf32>
      %add3A_193 = arith.constant 3 : i32
      %add3A_194 = vector.broadcast %add3A_193 : i32 to vector<16xi32>
      %add3A_195 = arith.addi %mul3A_174, %add3A_194 : vector<16xi32>
      %gather3A_196 = tpu.vector_load_idx %arg11[%add3A_195] : memref<2048xf32, #tpu.memory_space<vmem>>[vector<16xi32>], vector<16xf32>,
      %mul3A_197 = arith.constant 2.560000e+03 : f32
      %mul3A_198 = vector.broadcast %mul3A_197 : f32 to vector<16xf32>
      %mul3A_199 = arith.mulf %gather3A_196, %mul3A_198 : vector<16xf32>
      %mul3A_200 = arith.constant 5.000000e-01 : f32
      %mul3A_201 = vector.broadcast %mul3A_200 : f32 to vector<16xf32>
      %mul3A_202 = arith.mulf %mul3A_192, %mul3A_201 : vector<16xf32>
      %sub3A = arith.subf %mul3A_178, %mul3A_202 : vector<16xf32>
      %swap3A_203 = arith.index_cast %mul3A_156 : i32 to index
      %swap3A_204 = tpu.vector_load %arg15[%swap3A_203] {strides = array<i32>} : memref<256xf32, #tpu.memory_space<vmem>>, vector<16xf32>,
      tpu.vector_store %arg15[%swap3A_203], %sub3A {strides = array<i32>} : memref<256xf32, #tpu.memory_space<vmem>>, vector<16xf32>,
      %mul3A_205 = arith.constant 5.000000e-01 : f32
      %mul3A_206 = vector.broadcast %mul3A_205 : f32 to vector<16xf32>
      %mul3A_207 = arith.mulf %mul3A_199, %mul3A_206 : vector<16xf32>
      %sub3A_208 = arith.subf %mul3A_185, %mul3A_207 : vector<16xf32>
      %swap3A_209 = arith.index_cast %mul3A_156 : i32 to index
      %swap3A_210 = tpu.vector_load %arg16[%swap3A_209] {strides = array<i32>} : memref<256xf32, #tpu.memory_space<vmem>>, vector<16xf32>,
      tpu.vector_store %arg16[%swap3A_209], %sub3A_208 {strides = array<i32>} : memref<256xf32, #tpu.memory_space<vmem>>, vector<16xf32>,
      %mul3A_211 = arith.constant 5.000000e-01 : f32
      %mul3A_212 = vector.broadcast %mul3A_211 : f32 to vector<16xf32>
      %mul3A_213 = arith.mulf %mul3A_192, %mul3A_212 : vector<16xf32>
      %add3A_214 = arith.addf %mul3A_178, %mul3A_213 : vector<16xf32>
      %swap3A_215 = arith.index_cast %mul3A_156 : i32 to index
      %swap3A_216 = tpu.vector_load %arg17[%swap3A_215] {strides = array<i32>} : memref<256xf32, #tpu.memory_space<vmem>>, vector<16xf32>,
      tpu.vector_store %arg17[%swap3A_215], %add3A_214 {strides = array<i32>} : memref<256xf32, #tpu.memory_space<vmem>>, vector<16xf32>,
      %mul3A_217 = arith.constant 5.000000e-01 : f32
      %mul3A_218 = vector.broadcast %mul3A_217 : f32 to vector<16xf32>
      %mul3A_219 = arith.mulf %mul3A_199, %mul3A_218 : vector<16xf32>
      %add3A_220 = arith.addf %mul3A_185, %mul3A_219 : vector<16xf32>
      %swap3A_221 = arith.index_cast %mul3A_156 : i32 to index
      %swap3A_222 = tpu.vector_load %arg18[%swap3A_221] {strides = array<i32>} : memref<256xf32, #tpu.memory_space<vmem>>, vector<16xf32>,
      tpu.vector_store %arg18[%swap3A_221], %add3A_220 {strides = array<i32>} : memref<256xf32, #tpu.memory_space<vmem>>, vector<16xf32>,
      %mul3A_223 = arith.mulf %mul3A_192, %mul3A_199 : vector<16xf32>
      %swap3A_224 = arith.index_cast %mul3A_156 : i32 to index
      %swap3A_225 = tpu.vector_load %arg19[%swap3A_224] {strides = array<i32>} : memref<256xf32, #tpu.memory_space<vmem>>, vector<16xf32>,
      tpu.vector_store %arg19[%swap3A_224], %mul3A_223 {strides = array<i32>} : memref<256xf32, #tpu.memory_space<vmem>>, vector<16xf32>,
      %broadcast_in_dim3A_226 = arith.constant true
      %broadcast_in_dim3A_227 = vector.broadcast %broadcast_in_dim3A_226 : i1 to vector<16xi1>
      %unique3A, %unique3A_228 = tpu.scan_count mask(%broadcast_in_dim3A_227 : vector<16xi1>) value(%gather3A : vector<16xi32>) : vector<16xi1>, vector<16xi32>
      tpu.vector_store_idx %arg20[%gather3A], %add3A_160 masked %unique3A : memref<256xi32, #tpu.memory_space<vmem>>[vector<16xi32>], vector<16xi32>, vector<16xi1>
    }
    %scan3A_124 = arith.constant 16 : i32
    %scan3A_125 = arith.constant 0 : i32
    %scan3A_126 = arith.constant 0 : i32
    %scan3A_127 = arith.constant 16 : i32
    %scan3A_128 = arith.addi %scan3A_126, %scan3A_127 : i32
    %scan3A_129 = arith.constant 1 : i32
    scf.for %scan3A_154 = %scan3A_126 to %scan3A_128 step %scan3A_129  : i32 {
      %mul3A_155 = arith.constant 16 : i32
      %mul3A_156 = arith.muli %scan3A_154, %mul3A_155 : i32
      %get3A = arith.index_cast %mul3A_156 : i32 to index
      %get3A_157 = tpu.vector_load %arg12[%get3A] {strides = array<i32>} : memref<256xi32, #tpu.memory_space<vmem>>, vector<16xi32>,
      %mul3A_158 = arith.constant 16 : i32
      %mul3A_159 = arith.muli %scan3A_154, %mul3A_158 : i32
      %add3A_160 = vector.broadcast %mul3A_159 : i32 to vector<16xi32>
      %add3A_161 = arith.addi %add3A_160, %iota3A : vector<16xi32>
      %gather3A = tpu.vector_load_idx %arg20[%get3A_157] : memref<256xi32, #tpu.memory_space<vmem>>[vector<16xi32>], vector<16xi32>,
      %eq3A = arith.cmpi eq, %gather3A, %add3A_161 : vector<16xi32>
      %convert_element_type3A = arith.extui %eq3A : vector<16xi1> to vector<16xi32>
      %swap3A_162 = arith.index_cast %mul3A_156 : i32 to index
      %swap3A_163 = tpu.vector_load %arg14[%swap3A_162] {strides = array<i32>} : memref<256xi32, #tpu.memory_space<vmem>>, vector<16xi32>,
      tpu.vector_store %arg14[%swap3A_162], %convert_element_type3A {strides = array<i32>} : memref<256xi32, #tpu.memory_space<vmem>>, vector<16xi32>,
      %get3A_164 = arith.index_cast %mul3A_156 : i32 to index
      %get3A_165 = tpu.vector_load %arg13[%get3A_164] {strides = array<i32>} : memref<256xi32, #tpu.memory_space<vmem>>, vector<16xi32>,
      tpu.vector_store_idx %arg21[%get3A_165], %broadcast_in_dim3A_1 masked %eq3A {add = true} : memref<32xi32, #tpu.memory_space<vmem>>[vector<16xi32>], vector<16xi32>, vector<16xi1>
    }
    %scan3A_130 = arith.constant 16 : i32
    %mul3A_131 = arith.constant 256 : i32
    %mul3A_132 = vector.broadcast %mul3A_131 : i32 to vector<16xi32>
    %mul3A_133 = arith.muli %iota3A, %mul3A_132 : vector<16xi32>
    %swap3A_134 = arith.constant 0 : index
    %swap3A_135 = tpu.vector_load %arg22[%swap3A_134] {strides = array<i32>} : memref<16xi32, #tpu.memory_space<vmem>>, vector<16xi32>,
    tpu.vector_store %arg22[%swap3A_134], %mul3A_133 {strides = array<i32>} : memref<16xi32, #tpu.memory_space<vmem>>, vector<16xi32>,
    %scan3A_136 = arith.constant 0 : i32
    %scan3A_137 = arith.constant 0 : i32
    %scan3A_138 = arith.constant 16 : i32
    %scan3A_139 = arith.addi %scan3A_137, %scan3A_138 : i32
    %scan3A_140 = arith.constant 1 : i32
    scf.for %scan3A_154 = %scan3A_137 to %scan3A_139 step %scan3A_140  : i32 {
      %mul3A_155 = arith.constant 16 : i32
      %mul3A_156 = arith.muli %scan3A_154, %mul3A_155 : i32
      %get3A = arith.index_cast %mul3A_156 : i32 to index
      %get3A_157 = tpu.vector_load %arg14[%get3A] {strides = array<i32>} : memref<256xi32, #tpu.memory_space<vmem>>, vector<16xi32>,
      %ne3A = arith.constant 0 : i32
      %ne3A_158 = vector.broadcast %ne3A : i32 to vector<16xi32>
      %ne3A_159 = arith.cmpi ne, %get3A_157, %ne3A_158 : vector<16xi32>
      %get3A_160 = arith.index_cast %mul3A_156 : i32 to index
      %get3A_161 = tpu.vector_load %arg13[%get3A_160] {strides = array<i32>} : memref<256xi32, #tpu.memory_space<vmem>>, vector<16xi32>,
      %unique3A, %unique3A_162 = tpu.scan_count mask(%ne3A_159 : vector<16xi1>) value(%get3A_161 : vector<16xi32>) : vector<16xi1>, vector<16xi32>
      %gather3A = tpu.vector_load_idx %arg22[%get3A_161] : memref<16xi32, #tpu.memory_space<vmem>>[vector<16xi32>], vector<16xi32>,
      %add3A_163 = arith.addi %gather3A, %unique3A_162 : vector<16xi32>
      %sub3A = arith.constant 1 : i32
      %sub3A_164 = vector.broadcast %sub3A : i32 to vector<16xi32>
      %sub3A_165 = arith.subi %add3A_163, %sub3A_164 : vector<16xi32>
      %get3A_166 = arith.index_cast %mul3A_156 : i32 to index
      %get3A_167 = tpu.vector_load %arg15[%get3A_166] {strides = array<i32>} : memref<256xf32, #tpu.memory_space<vmem>>, vector<16xf32>,
      tpu.vector_store_idx %arg23[%sub3A_165], %get3A_167 masked %ne3A_159 : memref<4096xf32, #tpu.memory_space<vmem>>[vector<16xi32>], vector<16xf32>, vector<16xi1>
      %get3A_168 = arith.index_cast %mul3A_156 : i32 to index
      %get3A_169 = tpu.vector_load %arg16[%get3A_168] {strides = array<i32>} : memref<256xf32, #tpu.memory_space<vmem>>, vector<16xf32>,
      tpu.vector_store_idx %arg24[%sub3A_165], %get3A_169 masked %ne3A_159 : memref<4096xf32, #tpu.memory_space<vmem>>[vector<16xi32>], vector<16xf32>, vector<16xi1>
      %get3A_170 = arith.index_cast %mul3A_156 : i32 to index
      %get3A_171 = tpu.vector_load %arg17[%get3A_170] {strides = array<i32>} : memref<256xf32, #tpu.memory_space<vmem>>, vector<16xf32>,
      tpu.vector_store_idx %arg25[%sub3A_165], %get3A_171 masked %ne3A_159 : memref<4096xf32, #tpu.memory_space<vmem>>[vector<16xi32>], vector<16xf32>, vector<16xi1>
      %get3A_172 = arith.index_cast %mul3A_156 : i32 to index
      %get3A_173 = tpu.vector_load %arg18[%get3A_172] {strides = array<i32>} : memref<256xf32, #tpu.memory_space<vmem>>, vector<16xf32>,
      tpu.vector_store_idx %arg26[%sub3A_165], %get3A_173 masked %ne3A_159 : memref<4096xf32, #tpu.memory_space<vmem>>[vector<16xi32>], vector<16xf32>, vector<16xi1>
      %get3A_174 = arith.index_cast %mul3A_156 : i32 to index
      %get3A_175 = tpu.vector_load %arg19[%get3A_174] {strides = array<i32>} : memref<256xf32, #tpu.memory_space<vmem>>, vector<16xf32>,
      tpu.vector_store_idx %arg27[%sub3A_165], %get3A_175 masked %ne3A_159 : memref<4096xf32, #tpu.memory_space<vmem>>[vector<16xi32>], vector<16xf32>, vector<16xi1>
      tpu.vector_store_idx %arg22[%get3A_161], %broadcast_in_dim3A_1 masked %ne3A_159 {add = true} : memref<16xi32, #tpu.memory_space<vmem>>[vector<16xi32>], vector<16xi32>, vector<16xi1>
    }
    %scan3A_141 = arith.constant 16 : i32
    %scan3A_142 = arith.constant 0 : i32
    %scan3A_143 = arith.constant 16 : i32
    %scan3A_144 = arith.addi %scan3A_142, %scan3A_143 : i32
    %scan3A_145 = arith.constant 1 : i32
    %scan3A_146:2 = scf.for %scan3A_154 = %scan3A_142 to %scan3A_144 step %scan3A_145 iter_args(%scan3A_155 = %scan3A_95#0, %scan3A_156 = %scan3A_95#1) -> (vector<16xf32>, vector<16xf32>)  : i32 {
      %mul3A_157 = arith.constant 256 : i32
      %mul3A_158 = arith.muli %scan3A_154, %mul3A_157 : i32
      %get3A = arith.index_cast %scan3A_154 : i32 to index
      %get3A_159 = tpu.vector_load %arg21[%get3A] {strides = array<i32>} : memref<32xi32, #tpu.memory_space<vmem>>, vector<16xi32>,
      %slice3A = vector.extract_strided_slice %get3A_159 {offsets = [0], sizes = [1], strides = [1]} : vector<16xi32> to vector<1xi32>
      %squeeze3A = vector.extract %slice3A[0] : i32 from vector<1xi32>
      %le3A = arith.constant 16 : i32
      %le3A_160 = arith.cmpi sle, %squeeze3A, %le3A : i32
      %convert_element_type3A = arith.extui %le3A_160 : i1 to i32
      %cond3A = arith.constant 0 : i32
      %cond3A_161 = arith.cmpi ne, %convert_element_type3A, %cond3A : i32
      %cond3A_162:2 = scf.if %cond3A_161 -> (vector<16xf32>, vector<16xf32>) {
        %get3A_163 = arith.index_cast %mul3A_158 : i32 to index
        %get3A_164 = tpu.vector_load %arg23[%get3A_163] {strides = array<i32>} : memref<4096xf32, #tpu.memory_space<vmem>>, vector<16xf32>,
        %get3A_165 = arith.index_cast %mul3A_158 : i32 to index
        %get3A_166 = tpu.vector_load %arg24[%get3A_165] {strides = array<i32>} : memref<4096xf32, #tpu.memory_space<vmem>>, vector<16xf32>,
        %get3A_167 = arith.index_cast %mul3A_158 : i32 to index
        %get3A_168 = tpu.vector_load %arg25[%get3A_167] {strides = array<i32>} : memref<4096xf32, #tpu.memory_space<vmem>>, vector<16xf32>,
        %get3A_169 = arith.index_cast %mul3A_158 : i32 to index
        %get3A_170 = tpu.vector_load %arg26[%get3A_169] {strides = array<i32>} : memref<4096xf32, #tpu.memory_space<vmem>>, vector<16xf32>,
        %get3A_171 = arith.index_cast %mul3A_158 : i32 to index
        %get3A_172 = tpu.vector_load %arg27[%get3A_171] {strides = array<i32>} : memref<4096xf32, #tpu.memory_space<vmem>>, vector<16xf32>,
        %lt3A = vector.broadcast %squeeze3A : i32 to vector<16xi32>
        %lt3A_173 = arith.cmpi slt, %iota3A, %lt3A : vector<16xi32>
        %sub3A = arith.constant 1 : i32
        %sub3A_174 = arith.subi %squeeze3A, %sub3A : i32
        %while3A = arith.constant 0 : i32
        %while3A_175 = arith.subi %sub3A_174, %while3A : i32
        %while3A_176 = arith.addi %while3A, %while3A_175 : i32
        %while3A_177 = arith.constant 1 : i32
        %while3A_178 = arith.divsi %while3A_175, %while3A_177 : i32
        %while3A_179 = arith.muli %while3A_178, %while3A_177 : i32
        %while3A_180 = arith.addi %while3A, %while3A_179 : i32
        %while3A_181 = arith.constant 1 : i32
        %while3A_182:2 = scf.for %while3A_185 = %while3A to %while3A_180 step %while3A_181 iter_args(%while3A_186 = %scan3A_155, %while3A_187 = %scan3A_156) -> (vector<16xf32>, vector<16xf32>)  : i32 {
          %add3A_188 = arith.addi %mul3A_158, %while3A_185 : i32
          %broadcast_in_dim3A_189 = vector.broadcast %add3A_188 : i32 to vector<16xi32>
          %gather3A = tpu.vector_load_idx %arg23[%broadcast_in_dim3A_189] : memref<4096xf32, #tpu.memory_space<vmem>>[vector<16xi32>], vector<16xf32>,
          %gather3A_190 = tpu.vector_load_idx %arg24[%broadcast_in_dim3A_189] : memref<4096xf32, #tpu.memory_space<vmem>>[vector<16xi32>], vector<16xf32>,
          %gather3A_191 = tpu.vector_load_idx %arg25[%broadcast_in_dim3A_189] : memref<4096xf32, #tpu.memory_space<vmem>>[vector<16xi32>], vector<16xf32>,
          %gather3A_192 = tpu.vector_load_idx %arg26[%broadcast_in_dim3A_189] : memref<4096xf32, #tpu.memory_space<vmem>>[vector<16xi32>], vector<16xf32>,
          %gather3A_193 = tpu.vector_load_idx %arg27[%broadcast_in_dim3A_189] : memref<4096xf32, #tpu.memory_space<vmem>>[vector<16xi32>], vector<16xf32>,
          %gt3A = vector.broadcast %while3A_185 : i32 to vector<16xi32>
          %gt3A_194 = arith.cmpi sgt, %iota3A, %gt3A : vector<16xi32>
          %and3A = arith.andi %gt3A_194, %lt3A_173 : vector<16xi1>
          %max3A = arith.maximumf %gather3A, %get3A_164 : vector<16xf32>
          %max3A_195 = arith.maximumf %gather3A_190, %get3A_166 : vector<16xf32>
          %min3A = arith.minimumf %gather3A_191, %get3A_168 : vector<16xf32>
          %min3A_196 = arith.minimumf %gather3A_192, %get3A_170 : vector<16xf32>
          %ge3A = arith.cmpf oge, %min3A, %max3A : vector<16xf32>
          %ge3A_197 = arith.cmpf oge, %min3A_196, %max3A_195 : vector<16xf32>
          %and3A_198 = arith.andi %ge3A, %ge3A_197 : vector<16xi1>
          %and3A_199 = arith.andi %and3A_198, %and3A : vector<16xi1>
          %sub3A_200 = arith.subf %min3A, %max3A : vector<16xf32>
          %sub3A_201 = arith.subf %min3A_196, %max3A_195 : vector<16xf32>
          %mul3A_202 = arith.mulf %sub3A_200, %sub3A_201 : vector<16xf32>
          %min3A_203 = arith.minimumf %gather3A_193, %get3A_172 : vector<16xf32>
          %div3A = arith.divf %mul3A_202, %min3A_203 : vector<16xf32>
          %jit3A = arith.constant 0.000000e+00 : f32
          %broadcast_in_dim3A_204 = vector.broadcast %jit3A : f32 to vector<16xf32>
          %select_n3A = arith.select %and3A_199, %div3A, %broadcast_in_dim3A_204 : vector<16xi1>, vector<16xf32>
          %add3A_205 = arith.addf %while3A_186, %select_n3A : vector<16xf32>
          %convert_element_type3A_206 = arith.extui %and3A_199 : vector<16xi1> to vector<16xi32>
          %convert_element_type3A_207 = arith.sitofp %convert_element_type3A_206 : vector<16xi32> to vector<16xf32>
          %add3A_208 = arith.addf %while3A_187, %convert_element_type3A_207 : vector<16xf32>
          scf.yield %add3A_205, %add3A_208 : vector<16xf32>, vector<16xf32>
        }
        %while3A_183 = arith.constant 1 : i32
        %while3A_184:2 = scf.for %while3A_185 = %while3A_180 to %while3A_176 step %while3A_183 iter_args(%while3A_186 = %while3A_182#0, %while3A_187 = %while3A_182#1) -> (vector<16xf32>, vector<16xf32>)  : i32 {
          %add3A_188 = arith.addi %mul3A_158, %while3A_185 : i32
          %broadcast_in_dim3A_189 = vector.broadcast %add3A_188 : i32 to vector<16xi32>
          %gather3A = tpu.vector_load_idx %arg23[%broadcast_in_dim3A_189] : memref<4096xf32, #tpu.memory_space<vmem>>[vector<16xi32>], vector<16xf32>,
          %gather3A_190 = tpu.vector_load_idx %arg24[%broadcast_in_dim3A_189] : memref<4096xf32, #tpu.memory_space<vmem>>[vector<16xi32>], vector<16xf32>,
          %gather3A_191 = tpu.vector_load_idx %arg25[%broadcast_in_dim3A_189] : memref<4096xf32, #tpu.memory_space<vmem>>[vector<16xi32>], vector<16xf32>,
          %gather3A_192 = tpu.vector_load_idx %arg26[%broadcast_in_dim3A_189] : memref<4096xf32, #tpu.memory_space<vmem>>[vector<16xi32>], vector<16xf32>,
          %gather3A_193 = tpu.vector_load_idx %arg27[%broadcast_in_dim3A_189] : memref<4096xf32, #tpu.memory_space<vmem>>[vector<16xi32>], vector<16xf32>,
          %gt3A = vector.broadcast %while3A_185 : i32 to vector<16xi32>
          %gt3A_194 = arith.cmpi sgt, %iota3A, %gt3A : vector<16xi32>
          %and3A = arith.andi %gt3A_194, %lt3A_173 : vector<16xi1>
          %max3A = arith.maximumf %gather3A, %get3A_164 : vector<16xf32>
          %max3A_195 = arith.maximumf %gather3A_190, %get3A_166 : vector<16xf32>
          %min3A = arith.minimumf %gather3A_191, %get3A_168 : vector<16xf32>
          %min3A_196 = arith.minimumf %gather3A_192, %get3A_170 : vector<16xf32>
          %ge3A = arith.cmpf oge, %min3A, %max3A : vector<16xf32>
          %ge3A_197 = arith.cmpf oge, %min3A_196, %max3A_195 : vector<16xf32>
          %and3A_198 = arith.andi %ge3A, %ge3A_197 : vector<16xi1>
          %and3A_199 = arith.andi %and3A_198, %and3A : vector<16xi1>
          %sub3A_200 = arith.subf %min3A, %max3A : vector<16xf32>
          %sub3A_201 = arith.subf %min3A_196, %max3A_195 : vector<16xf32>
          %mul3A_202 = arith.mulf %sub3A_200, %sub3A_201 : vector<16xf32>
          %min3A_203 = arith.minimumf %gather3A_193, %get3A_172 : vector<16xf32>
          %div3A = arith.divf %mul3A_202, %min3A_203 : vector<16xf32>
          %jit3A = arith.constant 0.000000e+00 : f32
          %broadcast_in_dim3A_204 = vector.broadcast %jit3A : f32 to vector<16xf32>
          %select_n3A = arith.select %and3A_199, %div3A, %broadcast_in_dim3A_204 : vector<16xi1>, vector<16xf32>
          %add3A_205 = arith.addf %while3A_186, %select_n3A : vector<16xf32>
          %convert_element_type3A_206 = arith.extui %and3A_199 : vector<16xi1> to vector<16xi32>
          %convert_element_type3A_207 = arith.sitofp %convert_element_type3A_206 : vector<16xi32> to vector<16xf32>
          %add3A_208 = arith.addf %while3A_187, %convert_element_type3A_207 : vector<16xf32>
          scf.yield %add3A_205, %add3A_208 : vector<16xf32>, vector<16xf32>
        }
        scf.yield %while3A_184#0, %while3A_184#1 : vector<16xf32>, vector<16xf32>
      } else {
        %mul3A_163 = arith.constant 16 : i32
        %mul3A_164 = arith.muli %scan3A_154, %mul3A_163 : i32
        %add3A_165 = arith.constant 15 : i32
        %add3A_166 = arith.addi %squeeze3A, %add3A_165 : i32
        %jit3A = arith.constant 16 : i32
        %div3A = arith.divsi %add3A_166, %jit3A : i32
        %sign3A = arith.constant 0 : i32
        %sign3A_167 = arith.cmpi sgt, %add3A_166, %sign3A : i32
        %sign3A_168 = arith.extui %sign3A_167 : i1 to i32
        %sign3A_169 = arith.constant 0 : i32
        %sign3A_170 = arith.cmpi slt, %add3A_166, %sign3A_169 : i32
        %sign3A_171 = arith.extui %sign3A_170 : i1 to i32
        %sign3A_172 = arith.subi %sign3A_168, %sign3A_171 : i32
        %sign3A_173 = arith.constant 0 : i32
        %sign3A_174 = arith.cmpi sgt, %jit3A, %sign3A_173 : i32
        %sign3A_175 = arith.extui %sign3A_174 : i1 to i32
        %sign3A_176 = arith.constant 0 : i32
        %sign3A_177 = arith.cmpi slt, %jit3A, %sign3A_176 : i32
        %sign3A_178 = arith.extui %sign3A_177 : i1 to i32
        %sign3A_179 = arith.subi %sign3A_175, %sign3A_178 : i32
        %ne3A = arith.cmpi ne, %sign3A_172, %sign3A_179 : i32
        %rem3A = arith.remsi %add3A_166, %jit3A : i32
        %ne3A_180 = arith.constant 0 : i32
        %ne3A_181 = arith.cmpi ne, %rem3A, %ne3A_180 : i32
        %and3A = arith.andi %ne3A, %ne3A_181 : i1
        %sub3A = arith.constant 1 : i32
        %sub3A_182 = arith.subi %div3A, %sub3A : i32
        %select_n3A = arith.select %and3A, %sub3A_182, %div3A : i32
        %add3A_183 = arith.addi %mul3A_164, %select_n3A : i32
        %add3A_184 = arith.addi %mul3A_158, %squeeze3A : i32
        %sub3A_185 = arith.constant 1 : i32
        %sub3A_186 = arith.subi %squeeze3A, %sub3A_185 : i32
        %while3A = arith.constant 0 : i32
        %while3A_187 = arith.subi %sub3A_186, %while3A : i32
        %while3A_188 = arith.addi %while3A, %while3A_187 : i32
        %while3A_189 = arith.constant 1 : i32
        %while3A_190 = arith.divsi %while3A_187, %while3A_189 : i32
        %while3A_191 = arith.muli %while3A_190, %while3A_189 : i32
        %while3A_192 = arith.addi %while3A, %while3A_191 : i32
        %while3A_193 = arith.constant 1 : i32
        %while3A_194:2 = scf.for %while3A_197 = %while3A to %while3A_192 step %while3A_193 iter_args(%while3A_198 = %scan3A_155, %while3A_199 = %scan3A_156) -> (vector<16xf32>, vector<16xf32>)  : i32 {
          %add3A_200 = arith.addi %mul3A_158, %while3A_197 : i32
          %broadcast_in_dim3A_201 = vector.broadcast %add3A_200 : i32 to vector<16xi32>
          %gather3A = tpu.vector_load_idx %arg23[%broadcast_in_dim3A_201] : memref<4096xf32, #tpu.memory_space<vmem>>[vector<16xi32>], vector<16xf32>,
          %gather3A_202 = tpu.vector_load_idx %arg24[%broadcast_in_dim3A_201] : memref<4096xf32, #tpu.memory_space<vmem>>[vector<16xi32>], vector<16xf32>,
          %gather3A_203 = tpu.vector_load_idx %arg25[%broadcast_in_dim3A_201] : memref<4096xf32, #tpu.memory_space<vmem>>[vector<16xi32>], vector<16xf32>,
          %gather3A_204 = tpu.vector_load_idx %arg26[%broadcast_in_dim3A_201] : memref<4096xf32, #tpu.memory_space<vmem>>[vector<16xi32>], vector<16xf32>,
          %gather3A_205 = tpu.vector_load_idx %arg27[%broadcast_in_dim3A_201] : memref<4096xf32, #tpu.memory_space<vmem>>[vector<16xi32>], vector<16xf32>,
          %jit3A_206 = arith.constant 16 : i32
          %div3A_207 = arith.divsi %add3A_200, %jit3A_206 : i32
          %sign3A_208 = arith.constant 0 : i32
          %sign3A_209 = arith.cmpi sgt, %add3A_200, %sign3A_208 : i32
          %sign3A_210 = arith.extui %sign3A_209 : i1 to i32
          %sign3A_211 = arith.constant 0 : i32
          %sign3A_212 = arith.cmpi slt, %add3A_200, %sign3A_211 : i32
          %sign3A_213 = arith.extui %sign3A_212 : i1 to i32
          %sign3A_214 = arith.subi %sign3A_210, %sign3A_213 : i32
          %sign3A_215 = arith.constant 0 : i32
          %sign3A_216 = arith.cmpi sgt, %jit3A_206, %sign3A_215 : i32
          %sign3A_217 = arith.extui %sign3A_216 : i1 to i32
          %sign3A_218 = arith.constant 0 : i32
          %sign3A_219 = arith.cmpi slt, %jit3A_206, %sign3A_218 : i32
          %sign3A_220 = arith.extui %sign3A_219 : i1 to i32
          %sign3A_221 = arith.subi %sign3A_217, %sign3A_220 : i32
          %ne3A_222 = arith.cmpi ne, %sign3A_214, %sign3A_221 : i32
          %rem3A_223 = arith.remsi %add3A_200, %jit3A_206 : i32
          %ne3A_224 = arith.constant 0 : i32
          %ne3A_225 = arith.cmpi ne, %rem3A_223, %ne3A_224 : i32
          %and3A_226 = arith.andi %ne3A_222, %ne3A_225 : i1
          %sub3A_227 = arith.constant 1 : i32
          %sub3A_228 = arith.subi %div3A_207, %sub3A_227 : i32
          %select_n3A_229 = arith.select %and3A_226, %sub3A_228, %div3A_207 : i32
          %while3A_230 = arith.subi %add3A_183, %select_n3A_229 : i32
          %while3A_231 = arith.addi %select_n3A_229, %while3A_230 : i32
          %while3A_232 = arith.constant 1 : i32
          %while3A_233 = arith.divsi %while3A_230, %while3A_232 : i32
          %while3A_234 = arith.muli %while3A_233, %while3A_232 : i32
          %while3A_235 = arith.addi %select_n3A_229, %while3A_234 : i32
          %while3A_236 = arith.constant 1 : i32
          %while3A_237:2 = scf.for %while3A_240 = %select_n3A_229 to %while3A_235 step %while3A_236 iter_args(%while3A_241 = %while3A_198, %while3A_242 = %while3A_199) -> (vector<16xf32>, vector<16xf32>)  : i32 {
            %mul3A_243 = arith.constant 16 : i32
            %mul3A_244 = arith.muli %while3A_240, %mul3A_243 : i32
            %mul3A_245 = arith.constant 16 : i32
            %mul3A_246 = arith.muli %while3A_240, %mul3A_245 : i32
            %add3A_247 = vector.broadcast %mul3A_246 : i32 to vector<16xi32>
            %add3A_248 = arith.addi %add3A_247, %iota3A : vector<16xi32>
            %gt3A = vector.broadcast %add3A_200 : i32 to vector<16xi32>
            %gt3A_249 = arith.cmpi sgt, %add3A_248, %gt3A : vector<16xi32>
            %lt3A = vector.broadcast %add3A_184 : i32 to vector<16xi32>
            %lt3A_250 = arith.cmpi slt, %add3A_248, %lt3A : vector<16xi32>
            %and3A_251 = arith.andi %gt3A_249, %lt3A_250 : vector<16xi1>
            %get3A_252 = arith.index_cast %mul3A_244 : i32 to index
            %get3A_253 = tpu.vector_load %arg23[%get3A_252] {strides = array<i32>} : memref<4096xf32, #tpu.memory_space<vmem>>, vector<16xf32>,
            %max3A = arith.maximumf %gather3A, %get3A_253 : vector<16xf32>
            %get3A_254 = arith.index_cast %mul3A_244 : i32 to index
            %get3A_255 = tpu.vector_load %arg24[%get3A_254] {strides = array<i32>} : memref<4096xf32, #tpu.memory_space<vmem>>, vector<16xf32>,
            %max3A_256 = arith.maximumf %gather3A_202, %get3A_255 : vector<16xf32>
            %get3A_257 = arith.index_cast %mul3A_244 : i32 to index
            %get3A_258 = tpu.vector_load %arg25[%get3A_257] {strides = array<i32>} : memref<4096xf32, #tpu.memory_space<vmem>>, vector<16xf32>,
            %min3A = arith.minimumf %gather3A_203, %get3A_258 : vector<16xf32>
            %get3A_259 = arith.index_cast %mul3A_244 : i32 to index
            %get3A_260 = tpu.vector_load %arg26[%get3A_259] {strides = array<i32>} : memref<4096xf32, #tpu.memory_space<vmem>>, vector<16xf32>,
            %min3A_261 = arith.minimumf %gather3A_204, %get3A_260 : vector<16xf32>
            %ge3A = arith.cmpf oge, %min3A, %max3A : vector<16xf32>
            %ge3A_262 = arith.cmpf oge, %min3A_261, %max3A_256 : vector<16xf32>
            %and3A_263 = arith.andi %ge3A, %ge3A_262 : vector<16xi1>
            %and3A_264 = arith.andi %and3A_263, %and3A_251 : vector<16xi1>
            %sub3A_265 = arith.subf %min3A, %max3A : vector<16xf32>
            %sub3A_266 = arith.subf %min3A_261, %max3A_256 : vector<16xf32>
            %mul3A_267 = arith.mulf %sub3A_265, %sub3A_266 : vector<16xf32>
            %get3A_268 = arith.index_cast %mul3A_244 : i32 to index
            %get3A_269 = tpu.vector_load %arg27[%get3A_268] {strides = array<i32>} : memref<4096xf32, #tpu.memory_space<vmem>>, vector<16xf32>,
            %min3A_270 = arith.minimumf %gather3A_205, %get3A_269 : vector<16xf32>
            %div3A_271 = arith.divf %mul3A_267, %min3A_270 : vector<16xf32>
            %jit3A_272 = arith.constant 0.000000e+00 : f32
            %broadcast_in_dim3A_273 = vector.broadcast %jit3A_272 : f32 to vector<16xf32>
            %select_n3A_274 = arith.select %and3A_264, %div3A_271, %broadcast_in_dim3A_273 : vector<16xi1>, vector<16xf32>
            %add3A_275 = arith.addf %while3A_241, %select_n3A_274 : vector<16xf32>
            %convert_element_type3A_276 = arith.extui %and3A_264 : vector<16xi1> to vector<16xi32>
            %convert_element_type3A_277 = arith.sitofp %convert_element_type3A_276 : vector<16xi32> to vector<16xf32>
            %add3A_278 = arith.addf %while3A_242, %convert_element_type3A_277 : vector<16xf32>
            scf.yield %add3A_275, %add3A_278 : vector<16xf32>, vector<16xf32>
          }
          %while3A_238 = arith.constant 1 : i32
          %while3A_239:2 = scf.for %while3A_240 = %while3A_235 to %while3A_231 step %while3A_238 iter_args(%while3A_241 = %while3A_237#0, %while3A_242 = %while3A_237#1) -> (vector<16xf32>, vector<16xf32>)  : i32 {
            %mul3A_243 = arith.constant 16 : i32
            %mul3A_244 = arith.muli %while3A_240, %mul3A_243 : i32
            %mul3A_245 = arith.constant 16 : i32
            %mul3A_246 = arith.muli %while3A_240, %mul3A_245 : i32
            %add3A_247 = vector.broadcast %mul3A_246 : i32 to vector<16xi32>
            %add3A_248 = arith.addi %add3A_247, %iota3A : vector<16xi32>
            %gt3A = vector.broadcast %add3A_200 : i32 to vector<16xi32>
            %gt3A_249 = arith.cmpi sgt, %add3A_248, %gt3A : vector<16xi32>
            %lt3A = vector.broadcast %add3A_184 : i32 to vector<16xi32>
            %lt3A_250 = arith.cmpi slt, %add3A_248, %lt3A : vector<16xi32>
            %and3A_251 = arith.andi %gt3A_249, %lt3A_250 : vector<16xi1>
            %get3A_252 = arith.index_cast %mul3A_244 : i32 to index
            %get3A_253 = tpu.vector_load %arg23[%get3A_252] {strides = array<i32>} : memref<4096xf32, #tpu.memory_space<vmem>>, vector<16xf32>,
            %max3A = arith.maximumf %gather3A, %get3A_253 : vector<16xf32>
            %get3A_254 = arith.index_cast %mul3A_244 : i32 to index
            %get3A_255 = tpu.vector_load %arg24[%get3A_254] {strides = array<i32>} : memref<4096xf32, #tpu.memory_space<vmem>>, vector<16xf32>,
            %max3A_256 = arith.maximumf %gather3A_202, %get3A_255 : vector<16xf32>
            %get3A_257 = arith.index_cast %mul3A_244 : i32 to index
            %get3A_258 = tpu.vector_load %arg25[%get3A_257] {strides = array<i32>} : memref<4096xf32, #tpu.memory_space<vmem>>, vector<16xf32>,
            %min3A = arith.minimumf %gather3A_203, %get3A_258 : vector<16xf32>
            %get3A_259 = arith.index_cast %mul3A_244 : i32 to index
            %get3A_260 = tpu.vector_load %arg26[%get3A_259] {strides = array<i32>} : memref<4096xf32, #tpu.memory_space<vmem>>, vector<16xf32>,
            %min3A_261 = arith.minimumf %gather3A_204, %get3A_260 : vector<16xf32>
            %ge3A = arith.cmpf oge, %min3A, %max3A : vector<16xf32>
            %ge3A_262 = arith.cmpf oge, %min3A_261, %max3A_256 : vector<16xf32>
            %and3A_263 = arith.andi %ge3A, %ge3A_262 : vector<16xi1>
            %and3A_264 = arith.andi %and3A_263, %and3A_251 : vector<16xi1>
            %sub3A_265 = arith.subf %min3A, %max3A : vector<16xf32>
            %sub3A_266 = arith.subf %min3A_261, %max3A_256 : vector<16xf32>
            %mul3A_267 = arith.mulf %sub3A_265, %sub3A_266 : vector<16xf32>
            %get3A_268 = arith.index_cast %mul3A_244 : i32 to index
            %get3A_269 = tpu.vector_load %arg27[%get3A_268] {strides = array<i32>} : memref<4096xf32, #tpu.memory_space<vmem>>, vector<16xf32>,
            %min3A_270 = arith.minimumf %gather3A_205, %get3A_269 : vector<16xf32>
            %div3A_271 = arith.divf %mul3A_267, %min3A_270 : vector<16xf32>
            %jit3A_272 = arith.constant 0.000000e+00 : f32
            %broadcast_in_dim3A_273 = vector.broadcast %jit3A_272 : f32 to vector<16xf32>
            %select_n3A_274 = arith.select %and3A_264, %div3A_271, %broadcast_in_dim3A_273 : vector<16xi1>, vector<16xf32>
            %add3A_275 = arith.addf %while3A_241, %select_n3A_274 : vector<16xf32>
            %convert_element_type3A_276 = arith.extui %and3A_264 : vector<16xi1> to vector<16xi32>
            %convert_element_type3A_277 = arith.sitofp %convert_element_type3A_276 : vector<16xi32> to vector<16xf32>
            %add3A_278 = arith.addf %while3A_242, %convert_element_type3A_277 : vector<16xf32>
            scf.yield %add3A_275, %add3A_278 : vector<16xf32>, vector<16xf32>
          }
          scf.yield %while3A_239#0, %while3A_239#1 : vector<16xf32>, vector<16xf32>
        }
        %while3A_195 = arith.constant 1 : i32
        %while3A_196:2 = scf.for %while3A_197 = %while3A_192 to %while3A_188 step %while3A_195 iter_args(%while3A_198 = %while3A_194#0, %while3A_199 = %while3A_194#1) -> (vector<16xf32>, vector<16xf32>)  : i32 {
          %add3A_200 = arith.addi %mul3A_158, %while3A_197 : i32
          %broadcast_in_dim3A_201 = vector.broadcast %add3A_200 : i32 to vector<16xi32>
          %gather3A = tpu.vector_load_idx %arg23[%broadcast_in_dim3A_201] : memref<4096xf32, #tpu.memory_space<vmem>>[vector<16xi32>], vector<16xf32>,
          %gather3A_202 = tpu.vector_load_idx %arg24[%broadcast_in_dim3A_201] : memref<4096xf32, #tpu.memory_space<vmem>>[vector<16xi32>], vector<16xf32>,
          %gather3A_203 = tpu.vector_load_idx %arg25[%broadcast_in_dim3A_201] : memref<4096xf32, #tpu.memory_space<vmem>>[vector<16xi32>], vector<16xf32>,
          %gather3A_204 = tpu.vector_load_idx %arg26[%broadcast_in_dim3A_201] : memref<4096xf32, #tpu.memory_space<vmem>>[vector<16xi32>], vector<16xf32>,
          %gather3A_205 = tpu.vector_load_idx %arg27[%broadcast_in_dim3A_201] : memref<4096xf32, #tpu.memory_space<vmem>>[vector<16xi32>], vector<16xf32>,
          %jit3A_206 = arith.constant 16 : i32
          %div3A_207 = arith.divsi %add3A_200, %jit3A_206 : i32
          %sign3A_208 = arith.constant 0 : i32
          %sign3A_209 = arith.cmpi sgt, %add3A_200, %sign3A_208 : i32
          %sign3A_210 = arith.extui %sign3A_209 : i1 to i32
          %sign3A_211 = arith.constant 0 : i32
          %sign3A_212 = arith.cmpi slt, %add3A_200, %sign3A_211 : i32
          %sign3A_213 = arith.extui %sign3A_212 : i1 to i32
          %sign3A_214 = arith.subi %sign3A_210, %sign3A_213 : i32
          %sign3A_215 = arith.constant 0 : i32
          %sign3A_216 = arith.cmpi sgt, %jit3A_206, %sign3A_215 : i32
          %sign3A_217 = arith.extui %sign3A_216 : i1 to i32
          %sign3A_218 = arith.constant 0 : i32
          %sign3A_219 = arith.cmpi slt, %jit3A_206, %sign3A_218 : i32
          %sign3A_220 = arith.extui %sign3A_219 : i1 to i32
          %sign3A_221 = arith.subi %sign3A_217, %sign3A_220 : i32
          %ne3A_222 = arith.cmpi ne, %sign3A_214, %sign3A_221 : i32
          %rem3A_223 = arith.remsi %add3A_200, %jit3A_206 : i32
          %ne3A_224 = arith.constant 0 : i32
          %ne3A_225 = arith.cmpi ne, %rem3A_223, %ne3A_224 : i32
          %and3A_226 = arith.andi %ne3A_222, %ne3A_225 : i1
          %sub3A_227 = arith.constant 1 : i32
          %sub3A_228 = arith.subi %div3A_207, %sub3A_227 : i32
          %select_n3A_229 = arith.select %and3A_226, %sub3A_228, %div3A_207 : i32
          %while3A_230 = arith.subi %add3A_183, %select_n3A_229 : i32
          %while3A_231 = arith.addi %select_n3A_229, %while3A_230 : i32
          %while3A_232 = arith.constant 1 : i32
          %while3A_233 = arith.divsi %while3A_230, %while3A_232 : i32
          %while3A_234 = arith.muli %while3A_233, %while3A_232 : i32
          %while3A_235 = arith.addi %select_n3A_229, %while3A_234 : i32
          %while3A_236 = arith.constant 1 : i32
          %while3A_237:2 = scf.for %while3A_240 = %select_n3A_229 to %while3A_235 step %while3A_236 iter_args(%while3A_241 = %while3A_198, %while3A_242 = %while3A_199) -> (vector<16xf32>, vector<16xf32>)  : i32 {
            %mul3A_243 = arith.constant 16 : i32
            %mul3A_244 = arith.muli %while3A_240, %mul3A_243 : i32
            %mul3A_245 = arith.constant 16 : i32
            %mul3A_246 = arith.muli %while3A_240, %mul3A_245 : i32
            %add3A_247 = vector.broadcast %mul3A_246 : i32 to vector<16xi32>
            %add3A_248 = arith.addi %add3A_247, %iota3A : vector<16xi32>
            %gt3A = vector.broadcast %add3A_200 : i32 to vector<16xi32>
            %gt3A_249 = arith.cmpi sgt, %add3A_248, %gt3A : vector<16xi32>
            %lt3A = vector.broadcast %add3A_184 : i32 to vector<16xi32>
            %lt3A_250 = arith.cmpi slt, %add3A_248, %lt3A : vector<16xi32>
            %and3A_251 = arith.andi %gt3A_249, %lt3A_250 : vector<16xi1>
            %get3A_252 = arith.index_cast %mul3A_244 : i32 to index
            %get3A_253 = tpu.vector_load %arg23[%get3A_252] {strides = array<i32>} : memref<4096xf32, #tpu.memory_space<vmem>>, vector<16xf32>,
            %max3A = arith.maximumf %gather3A, %get3A_253 : vector<16xf32>
            %get3A_254 = arith.index_cast %mul3A_244 : i32 to index
            %get3A_255 = tpu.vector_load %arg24[%get3A_254] {strides = array<i32>} : memref<4096xf32, #tpu.memory_space<vmem>>, vector<16xf32>,
            %max3A_256 = arith.maximumf %gather3A_202, %get3A_255 : vector<16xf32>
            %get3A_257 = arith.index_cast %mul3A_244 : i32 to index
            %get3A_258 = tpu.vector_load %arg25[%get3A_257] {strides = array<i32>} : memref<4096xf32, #tpu.memory_space<vmem>>, vector<16xf32>,
            %min3A = arith.minimumf %gather3A_203, %get3A_258 : vector<16xf32>
            %get3A_259 = arith.index_cast %mul3A_244 : i32 to index
            %get3A_260 = tpu.vector_load %arg26[%get3A_259] {strides = array<i32>} : memref<4096xf32, #tpu.memory_space<vmem>>, vector<16xf32>,
            %min3A_261 = arith.minimumf %gather3A_204, %get3A_260 : vector<16xf32>
            %ge3A = arith.cmpf oge, %min3A, %max3A : vector<16xf32>
            %ge3A_262 = arith.cmpf oge, %min3A_261, %max3A_256 : vector<16xf32>
            %and3A_263 = arith.andi %ge3A, %ge3A_262 : vector<16xi1>
            %and3A_264 = arith.andi %and3A_263, %and3A_251 : vector<16xi1>
            %sub3A_265 = arith.subf %min3A, %max3A : vector<16xf32>
            %sub3A_266 = arith.subf %min3A_261, %max3A_256 : vector<16xf32>
            %mul3A_267 = arith.mulf %sub3A_265, %sub3A_266 : vector<16xf32>
            %get3A_268 = arith.index_cast %mul3A_244 : i32 to index
            %get3A_269 = tpu.vector_load %arg27[%get3A_268] {strides = array<i32>} : memref<4096xf32, #tpu.memory_space<vmem>>, vector<16xf32>,
            %min3A_270 = arith.minimumf %gather3A_205, %get3A_269 : vector<16xf32>
            %div3A_271 = arith.divf %mul3A_267, %min3A_270 : vector<16xf32>
            %jit3A_272 = arith.constant 0.000000e+00 : f32
            %broadcast_in_dim3A_273 = vector.broadcast %jit3A_272 : f32 to vector<16xf32>
            %select_n3A_274 = arith.select %and3A_264, %div3A_271, %broadcast_in_dim3A_273 : vector<16xi1>, vector<16xf32>
            %add3A_275 = arith.addf %while3A_241, %select_n3A_274 : vector<16xf32>
            %convert_element_type3A_276 = arith.extui %and3A_264 : vector<16xi1> to vector<16xi32>
            %convert_element_type3A_277 = arith.sitofp %convert_element_type3A_276 : vector<16xi32> to vector<16xf32>
            %add3A_278 = arith.addf %while3A_242, %convert_element_type3A_277 : vector<16xf32>
            scf.yield %add3A_275, %add3A_278 : vector<16xf32>, vector<16xf32>
          }
          %while3A_238 = arith.constant 1 : i32
          %while3A_239:2 = scf.for %while3A_240 = %while3A_235 to %while3A_231 step %while3A_238 iter_args(%while3A_241 = %while3A_237#0, %while3A_242 = %while3A_237#1) -> (vector<16xf32>, vector<16xf32>)  : i32 {
            %mul3A_243 = arith.constant 16 : i32
            %mul3A_244 = arith.muli %while3A_240, %mul3A_243 : i32
            %mul3A_245 = arith.constant 16 : i32
            %mul3A_246 = arith.muli %while3A_240, %mul3A_245 : i32
            %add3A_247 = vector.broadcast %mul3A_246 : i32 to vector<16xi32>
            %add3A_248 = arith.addi %add3A_247, %iota3A : vector<16xi32>
            %gt3A = vector.broadcast %add3A_200 : i32 to vector<16xi32>
            %gt3A_249 = arith.cmpi sgt, %add3A_248, %gt3A : vector<16xi32>
            %lt3A = vector.broadcast %add3A_184 : i32 to vector<16xi32>
            %lt3A_250 = arith.cmpi slt, %add3A_248, %lt3A : vector<16xi32>
            %and3A_251 = arith.andi %gt3A_249, %lt3A_250 : vector<16xi1>
            %get3A_252 = arith.index_cast %mul3A_244 : i32 to index
            %get3A_253 = tpu.vector_load %arg23[%get3A_252] {strides = array<i32>} : memref<4096xf32, #tpu.memory_space<vmem>>, vector<16xf32>,
            %max3A = arith.maximumf %gather3A, %get3A_253 : vector<16xf32>
            %get3A_254 = arith.index_cast %mul3A_244 : i32 to index
            %get3A_255 = tpu.vector_load %arg24[%get3A_254] {strides = array<i32>} : memref<4096xf32, #tpu.memory_space<vmem>>, vector<16xf32>,
            %max3A_256 = arith.maximumf %gather3A_202, %get3A_255 : vector<16xf32>
            %get3A_257 = arith.index_cast %mul3A_244 : i32 to index
            %get3A_258 = tpu.vector_load %arg25[%get3A_257] {strides = array<i32>} : memref<4096xf32, #tpu.memory_space<vmem>>, vector<16xf32>,
            %min3A = arith.minimumf %gather3A_203, %get3A_258 : vector<16xf32>
            %get3A_259 = arith.index_cast %mul3A_244 : i32 to index
            %get3A_260 = tpu.vector_load %arg26[%get3A_259] {strides = array<i32>} : memref<4096xf32, #tpu.memory_space<vmem>>, vector<16xf32>,
            %min3A_261 = arith.minimumf %gather3A_204, %get3A_260 : vector<16xf32>
            %ge3A = arith.cmpf oge, %min3A, %max3A : vector<16xf32>
            %ge3A_262 = arith.cmpf oge, %min3A_261, %max3A_256 : vector<16xf32>
            %and3A_263 = arith.andi %ge3A, %ge3A_262 : vector<16xi1>
            %and3A_264 = arith.andi %and3A_263, %and3A_251 : vector<16xi1>
            %sub3A_265 = arith.subf %min3A, %max3A : vector<16xf32>
            %sub3A_266 = arith.subf %min3A_261, %max3A_256 : vector<16xf32>
            %mul3A_267 = arith.mulf %sub3A_265, %sub3A_266 : vector<16xf32>
            %get3A_268 = arith.index_cast %mul3A_244 : i32 to index
            %get3A_269 = tpu.vector_load %arg27[%get3A_268] {strides = array<i32>} : memref<4096xf32, #tpu.memory_space<vmem>>, vector<16xf32>,
            %min3A_270 = arith.minimumf %gather3A_205, %get3A_269 : vector<16xf32>
            %div3A_271 = arith.divf %mul3A_267, %min3A_270 : vector<16xf32>
            %jit3A_272 = arith.constant 0.000000e+00 : f32
            %broadcast_in_dim3A_273 = vector.broadcast %jit3A_272 : f32 to vector<16xf32>
            %select_n3A_274 = arith.select %and3A_264, %div3A_271, %broadcast_in_dim3A_273 : vector<16xi1>, vector<16xf32>
            %add3A_275 = arith.addf %while3A_241, %select_n3A_274 : vector<16xf32>
            %convert_element_type3A_276 = arith.extui %and3A_264 : vector<16xi1> to vector<16xi32>
            %convert_element_type3A_277 = arith.sitofp %convert_element_type3A_276 : vector<16xi32> to vector<16xf32>
            %add3A_278 = arith.addf %while3A_242, %convert_element_type3A_277 : vector<16xf32>
            scf.yield %add3A_275, %add3A_278 : vector<16xf32>, vector<16xf32>
          }
          scf.yield %while3A_239#0, %while3A_239#1 : vector<16xf32>, vector<16xf32>
        }
        scf.yield %while3A_196#0, %while3A_196#1 : vector<16xf32>, vector<16xf32>
      }
      scf.yield %cond3A_162#0, %cond3A_162#1 : vector<16xf32>, vector<16xf32>
    }
    %scan3A_147 = arith.constant 16 : i32
    %swap3A_148 = arith.constant 0 : index
    %swap3A_149 = tpu.vector_load %arg28[%swap3A_148] {strides = array<i32>} : memref<16xf32, #tpu.memory_space<vmem>>, vector<16xf32>,
    tpu.vector_store %arg28[%swap3A_148], %scan3A_146#0 {strides = array<i32>} : memref<16xf32, #tpu.memory_space<vmem>>, vector<16xf32>,
    "tpu.region"() ({
      %run_scoped3A = tpu.sem_alloc : memref<!tpu.dma_semaphore, #tpu.memory_space<semaphore_mem>>
      %dma_start3A_154 = arith.constant 0 : i32
      %dma_start3A_155 = tpu.memref_slice %arg5[%add3A, %dma_start3A_154] : memref<64x16xf32, #tpu.memory_space<hbm>> -> memref<1x16xf32, #tpu.memory_space<hbm>>
      %dma_start3A_156 = tpu.memref_squeeze %dma_start3A_155 : memref<1x16xf32, #tpu.memory_space<hbm>> -> memref<16xf32, #tpu.memory_space<hbm>>
      %dma_start3A_157 = arith.constant 0 : i32
      %dma_start3A_158 = tpu.memref_slice %arg5[%add3A, %dma_start3A_157] : memref<64x16xf32, #tpu.memory_space<hbm>> -> memref<1x16xf32, #tpu.memory_space<hbm>>
      %dma_start3A_159 = tpu.memref_squeeze %dma_start3A_158 : memref<1x16xf32, #tpu.memory_space<hbm>> -> memref<16xf32, #tpu.memory_space<hbm>>
      tpu.enqueue_dma source(%arg28 : memref<16xf32, #tpu.memory_space<vmem>>) target(%dma_start3A_159 : memref<16xf32, #tpu.memory_space<hbm>>) target_semaphore(%run_scoped3A : memref<!tpu.dma_semaphore, #tpu.memory_space<semaphore_mem>>)
      %dma_wait3A_160 = arith.constant 0 : i32
      %dma_wait3A_161 = tpu.memref_slice %arg5[%add3A, %dma_wait3A_160] : memref<64x16xf32, #tpu.memory_space<hbm>> -> memref<1x16xf32, #tpu.memory_space<hbm>>
      %dma_wait3A_162 = tpu.memref_squeeze %dma_wait3A_161 : memref<1x16xf32, #tpu.memory_space<hbm>> -> memref<16xf32, #tpu.memory_space<hbm>>
      %dma_wait3A_163 = arith.constant 0 : i32
      %dma_wait3A_164 = tpu.memref_slice %arg5[%add3A, %dma_wait3A_163] : memref<64x16xf32, #tpu.memory_space<hbm>> -> memref<1x16xf32, #tpu.memory_space<hbm>>
      %dma_wait3A_165 = tpu.memref_squeeze %dma_wait3A_164 : memref<1x16xf32, #tpu.memory_space<hbm>> -> memref<16xf32, #tpu.memory_space<hbm>>
      tpu.wait_dma2 semaphore(%run_scoped3A : memref<!tpu.dma_semaphore, #tpu.memory_space<semaphore_mem>>) src(%arg28 : memref<16xf32, #tpu.memory_space<vmem>>) dst(%dma_wait3A_165 : memref<16xf32, #tpu.memory_space<hbm>>)
      tpu.yield
    }) : () -> ()
    %swap3A_150 = arith.constant 0 : index
    %swap3A_151 = tpu.vector_load %arg28[%swap3A_150] {strides = array<i32>} : memref<16xf32, #tpu.memory_space<vmem>>, vector<16xf32>,
    tpu.vector_store %arg28[%swap3A_150], %scan3A_146#1 {strides = array<i32>} : memref<16xf32, #tpu.memory_space<vmem>>, vector<16xf32>,
    %add3A_152 = arith.constant 32 : i32
    %add3A_153 = arith.addi %add3A_152, %add3A : i32
    "tpu.region"() ({
      %run_scoped3A = tpu.sem_alloc : memref<!tpu.dma_semaphore, #tpu.memory_space<semaphore_mem>>
      %dma_start3A_154 = arith.constant 0 : i32
      %dma_start3A_155 = tpu.memref_slice %arg5[%add3A_153, %dma_start3A_154] : memref<64x16xf32, #tpu.memory_space<hbm>> -> memref<1x16xf32, #tpu.memory_space<hbm>>
      %dma_start3A_156 = tpu.memref_squeeze %dma_start3A_155 : memref<1x16xf32, #tpu.memory_space<hbm>> -> memref<16xf32, #tpu.memory_space<hbm>>
      %dma_start3A_157 = arith.constant 0 : i32
      %dma_start3A_158 = tpu.memref_slice %arg5[%add3A_153, %dma_start3A_157] : memref<64x16xf32, #tpu.memory_space<hbm>> -> memref<1x16xf32, #tpu.memory_space<hbm>>
      %dma_start3A_159 = tpu.memref_squeeze %dma_start3A_158 : memref<1x16xf32, #tpu.memory_space<hbm>> -> memref<16xf32, #tpu.memory_space<hbm>>
      tpu.enqueue_dma source(%arg28 : memref<16xf32, #tpu.memory_space<vmem>>) target(%dma_start3A_159 : memref<16xf32, #tpu.memory_space<hbm>>) target_semaphore(%run_scoped3A : memref<!tpu.dma_semaphore, #tpu.memory_space<semaphore_mem>>)
      %dma_wait3A_160 = arith.constant 0 : i32
      %dma_wait3A_161 = tpu.memref_slice %arg5[%add3A_153, %dma_wait3A_160] : memref<64x16xf32, #tpu.memory_space<hbm>> -> memref<1x16xf32, #tpu.memory_space<hbm>>
      %dma_wait3A_162 = tpu.memref_squeeze %dma_wait3A_161 : memref<1x16xf32, #tpu.memory_space<hbm>> -> memref<16xf32, #tpu.memory_space<hbm>>
      %dma_wait3A_163 = arith.constant 0 : i32
      %dma_wait3A_164 = tpu.memref_slice %arg5[%add3A_153, %dma_wait3A_163] : memref<64x16xf32, #tpu.memory_space<hbm>> -> memref<1x16xf32, #tpu.memory_space<hbm>>
      %dma_wait3A_165 = tpu.memref_squeeze %dma_wait3A_164 : memref<1x16xf32, #tpu.memory_space<hbm>> -> memref<16xf32, #tpu.memory_space<hbm>>
      tpu.wait_dma2 semaphore(%run_scoped3A : memref<!tpu.dma_semaphore, #tpu.memory_space<semaphore_mem>>) src(%arg28 : memref<16xf32, #tpu.memory_space<vmem>>) dst(%dma_wait3A_165 : memref<16xf32, #tpu.memory_space<hbm>>)
      tpu.yield
    }) : () -> ()
    return
  }
}

</mosaic_0001>

<sc_bundles>
// kernel: _sc_call.3.cloned.1.call-start
scs
__scs_entry_jumppad:
0x0: {  	(pc) =	sbr.rel $0x88, $3  }
0x1: {  	(tag) =	ssettag $0x0;
	lr =	simm.s32 $0x1  }
0x2: {  	[smem:$0x3F9E] =	sst lr;
	_ =	strace $0xD0000000  }
0x3: {  	_ = 	snop  }
0x4: {  	_ = 	snop  }
0x5: {  	_ = 	snop  }
0x6: {  	_ = 	snop  }
0x7: {  	_ = 	snop  }
__scs_overlays_trampoline_lowered:
0x8: {  	[smem:$0x3FAD] =	sst s0  }
0x9: {  	[smem:$0x3FAE] =	sst s1  }
0xa: {  	[smem:$0x3FAF] =	sst s2  }
0xb: {  	[smem:$0x3FB0] =	sst s3  }
0xc: {  	[smem:$0x3FB1] =	sst s4  }
0xd: {  	[smem:$0x3FB2] =	sst s5  }
0xe: {  	[smem:$0x3FB3] =	sst s6  }
0xf: {  	[smem:$0x3FB4] =	sst s7  }
0x10: {  	[smem:$0x3FB5] =	sst s8  }
0x11: {  	[smem:$0x3FB6] =	sst s9;
	s0 =	simm.s32 @!p0 $0x0  }
0x12: {  	s1 =	sld [smem:$0x3F9C];
	s0 =	simm.s32 @p0 $0x1  }
0x13: {  	[smem:$0x3FB7] =	sst s0;
	s0 =	simm.s32 @!p1 $0x0  }
0x14: {  	s2 =	sld [smem:$0x3F9B];
	s0 =	simm.s32 @p1 $0x1  }
0x15: {  	[smem:$0x3FB8] =	sst s0;
	s0 =	simm.s32 @!p2 $0x0  }
0x16: {  	s3 =	sld [smem:$0x3FDB];
	s0 =	simm.s32 @p2 $0x1  }
0x17: {  	s4 =	simm.s32 $0x1BF5;
	[smem:$0x3FBA] =	sst s0  }
0x18: {  	s0 =	sld [smem:$0x3F9D];
	_ =	swait.ge [sflag:s4], $0x0  }
0x19: {  	s7 =	sld [smem:$0x3F9E]  }
0x1a: {  	s8 =	sadd.s32 $0xFFFFE003, lr  }
0x1b: {  	s9 =	sadd.s32 $0xFFFFFEF7, lr;
	s5 =	simm.s32 $0xFFFFFFFF;
	p2 =	slt.u32 s8, $0xFFFFF086  }
0x1c: {  	p1 =	slt.u32 s9, $0xF7A;
	s5 =	simm.s32 @!p2 $0x0  }
0x1d: {  	s5 =	simm.s32 @p1 $0x1;
	p0 =	seq.s32 s7, s2  }
0x1e: {  	s7 =	smul.u32 @!p0 $0xF7A, s2;
	p2 =	seq.s32 @!p0 s5, $0x0  }
0x1f: {  	s9 =	smul.u32 $0xF7A, s1;
	s8 =	simm.s32 @!p0 $0x1BF5;
	p2 =	por !p2, p0  }
0x20: {  	[sflag:s8] =	ssyncset.s32 @!p0 $0xFFFFF086;
	s6 =	sadd.s32 @!p0 s3, s7;
	s7 =	simm.s32 @!p0 $0x108  }
0x21: {  	s3 =	sadd.s32 s3, s9;
	s6 =	sadd.s32 @!p0 $0x88, s6;
	s7 =	simm.s32 @p2 $0x1082  }
0x22: {  	[simem:s7], [sflag:s8] =	dma.local @!p0 [hbm:s6], $0xF7A  }
0x23: {  	s9 =	sor.u32 $0xD0000000, s2;
	s6 =	simm.s32 $0x108;
	_ =	swait.ge @!p0 [sflag:s8], $0x0  }
0x24: {  	s3 =	sadd.s32 $0x88, s3;
	s6 =	simm.s32 @!p1 $0x1082;
	[sflag:s4] =	ssyncset.s32 $0xFFFFF086  }
0x25: {  	[simem:s6], [sflag:s4] =	dma.local [hbm:s3], $0xF7A  }
0x26: {  	[smem:$0x3F9E] =	sst s1;
	(tag) =	ssettag s2;
	_ =	strace s9  }
0x27: {  	s1 =	sld [smem:$0x3FAE]  }
0x28: {  	s2 =	sld [smem:$0x3FAF]  }
0x29: {  	s4 =	sld [smem:$0x3FB1]  }
0x2a: {  	p0 =	seq.s32 s5, $0x0;
	s5 =	sld [smem:$0x3FB2]  }
0x2b: {  	s6 =	sld [smem:$0x3FB3]  }
0x2c: {  	s7 =	sld [smem:$0x3FB4]  }
0x2d: {  	s3 =	simm.s32 $0x108;
	s8 =	sld [smem:$0x3FB5]  }
0x2e: {  	s3 =	simm.s32 @!p0 $0x1082;
	s9 =	sld [smem:$0x3FB6]  }
0x2f: {  	lr =	sadd.s32 s0, s3;
	s0 =	sld [smem:$0x3FAD]  }
0x30: {  	s3 =	sld [smem:$0x3FB0]  }
0x31: {  	[smem:$0x3FB9] =	sst s10  }
0x32: {  	s10 =	sld [smem:$0x3FB7];
	_ =	sdelay $0x3  }
0x33: {  	p0 =	seq.s32 s10, $0x1;
	s10 =	sld [smem:$0x3FB9];
	_ =	sdelay $0x3  }
0x34: {  	[smem:$0x3FB9] =	sst s10  }
0x35: {  	s10 =	sld [smem:$0x3FB8];
	_ =	sdelay $0x3  }
0x36: {  	p1 =	seq.s32 s10, $0x1;
	s10 =	sld [smem:$0x3FB9];
	_ =	sdelay $0x3  }
0x37: {  	[smem:$0x3FB9] =	sst s10  }
0x38: {  	s10 =	sld [smem:$0x3FBA]  }
0x39: {  	_ = 	snop;
	(pc) =	sbr.ind lr, $3  }
0x3a: {  	_ = 	snop  }
0x3b: {  	_ = 	snop  }
0x3c: {  	p2 =	seq.s32 s10, $0x1;
	s10 =	sld [smem:$0x3FB9]  }
0x3d: {  	_ =	shalt  }
0x3e: {  	_ =	shalt  }
0x3f: {  	_ =	shalt  }
0x40: {  	_ =	shalt  }
0x41: {  	_ =	shalt  }
0x42: {  	_ =	shalt  }
0x43: {  	_ =	shalt  }
0x44: {  	_ =	shalt  }
0x45: {  	_ =	shalt  }
0x46: {  	_ =	shalt  }
0x47: {  	_ =	shalt  }
0x48: {  	_ =	shalt  }
0x49: {  	_ =	shalt  }
0x4a: {  	_ =	shalt  }
0x4b: {  	_ =	shalt  }
0x4c: {  	_ =	shalt  }
0x4d: {  	_ =	shalt  }
0x4e: {  	_ =	shalt  }
0x4f: {  	_ =	shalt  }
0x50: {  	_ =	shalt  }
0x51: {  	_ =	shalt  }
0x52: {  	_ =	shalt  }
0x53: {  	_ =	shalt  }
0x54: {  	_ =	shalt  }
0x55: {  	_ =	shalt  }
0x56: {  	_ =	shalt  }
0x57: {  	_ =	shalt  }
0x58: {  	_ =	shalt  }
0x59: {  	_ =	shalt  }
0x5a: {  	_ =	shalt  }
0x5b: {  	_ =	shalt  }
0x5c: {  	_ =	shalt  }
0x5d: {  	_ =	shalt  }
0x5e: {  	_ =	shalt  }
0x5f: {  	_ =	shalt  }
0x60: {  	_ =	shalt  }
0x61: {  	_ =	shalt  }
0x62: {  	_ =	shalt  }
0x63: {  	_ =	shalt  }
0x64: {  	_ =	shalt  }
0x65: {  	_ =	shalt  }
0x66: {  	_ =	shalt  }
0x67: {  	_ =	shalt  }
0x68: {  	_ =	shalt  }
0x69: {  	_ =	shalt  }
0x6a: {  	_ =	shalt  }
0x6b: {  	_ =	shalt  }
0x6c: {  	_ =	shalt  }
0x6d: {  	_ =	shalt  }
0x6e: {  	_ =	shalt  }
0x6f: {  	_ =	shalt  }
0x70: {  	_ =	shalt  }
0x71: {  	_ =	shalt  }
0x72: {  	_ =	shalt  }
0x73: {  	_ =	shalt  }
0x74: {  	_ =	shalt  }
0x75: {  	_ =	shalt  }
0x76: {  	_ =	shalt  }
0x77: {  	_ =	shalt  }
0x78: {  	_ =	shalt  }
0x79: {  	_ =	shalt  }
0x7a: {  	_ =	shalt  }
0x7b: {  	_ =	shalt  }
0x7c: {  	_ =	shalt  }
0x7d: {  	_ =	shalt  }
0x7e: {  	_ =	shalt  }
0x7f: {  	_ =	shalt  }
0x80: {  	_ =	shalt  }
0x81: {  	_ =	shalt  }
0x82: {  	_ =	shalt  }
0x83: {  	_ =	shalt  }
0x84: {  	_ =	shalt  }
0x85: {  	_ =	shalt  }
0x86: {  	_ =	shalt  }
0x87: {  	_ =	shalt  }
.Lfunc_end0:
.L_simem_size_0:
called_computation_lowered:
.L_overlay_start_0:
0x88: {  	s2 =	sld [smem:$0x3FD9]  }
0x89: {  	s3 =	sld [smem:$0x3FFE];
	_ =	sdelay $0x1  }
0x8a: {  	s1 =	srdreg.scid  }
0x8b: {  	s0 =	sand.u32 $0x1, s1  }
0x8c: {  	s17 =	sshll.u32 s0, $0xA;
	s2 =	sadd.s32 s3, s2  }
0x8d: {  	s2 =	sadd.s32 s2, s17  }
0x8e: {  	[smem:$0x3FC5] =	sst s2  }
0x8f: {  	_ = 	snop  }
0x90: {  	s2 =	sld [smem:$0x3FC9]  }
0x91: {  	s18 =	sld [smem:$0x3FC8]  }
0x92: {  	s4 =	sld [smem:$0x3FC7];
	(tm) =	ssettm $0x1  }
0x93: {  	s5 =	sld [smem:$0x3FFB];
	_ =	sdelay $0x3  }
0x94: {  	_ =	strace s5  }
0x95: {  	s5 =	sld [smem:$0x3FFC];
	_ =	sdelay $0x3  }
0x96: {  	_ =	strace s5  }
0x97: {  	s5 =	sld [smem:$0x3FFD];
	_ =	sdelay $0x3  }
0x98: {  	_ =	strace s5  }
0x99: {  	_ =	strace $0x8FFFFFFF  }
0x9a: {  	s19 =	sld [smem:$0x3FDB];
	_ =	sdelay $0x1  }
0x9b: {  	s6 =	simm.s32 $_scs_section_size  }
0x9c: {  	s7 =	simm.s32 $_size__tile_overlayer_lowered;
	s8 =	simm.s32 $_tile_overlayer_lowered  }
0x9d: {  	s22 =	simm.s32 $0x1BFF;
	s21 =	sshll.u32 s8, $0x1;
	s5 =	sadd.s32 s6, s19  }
0x9e: {  	s9 =	simm.s32 $0x0;
	s20 =	sshll.u32 s7, $0x1;
	s7 =	sadd.s32 s21, s5  }
0x9f: {  	[timem:s9], [sflag:s22] =	dma.local [hbm:s7], s20  }
0xa0: {  	_ =	swait.ge [sflag:s22], s20  }
0xa1: {  	s6 =	ssub.s32 $0x0, s20;
	[sflag:s22] =	ssyncset.done $0x0  }
0xa2: {  	[sflag:s22] =	ssyncadd.s32 s6;
	_ =	sdelay $0x1  }
0xa3: {  	s23 =	simm.s32 $0x1B8B  }
0xa4: {  	_ =	swait.ge [sflag:s23], $0x1  }
0xa5: {  	[sflag:s23] =	ssyncset.done $0x0  }
0xa6: {  	s25 =	simm.s32 $0x1B8E;
	s24 =	sld [smem:$0x3FFE];
	[sflag:s23] =	ssyncadd.s32 $0xFFFFFFFF  }
0xa7: {  	s26 =	simm.s32 $execute0_lowered;
	[smem:$0x3FD2] =	sst s25  }
0xa8: {  	s7 =	sshll.u32 s26, $0x1;
	_ =	strace $0x80000046;
	[dreg:$0x1] =	wrdreg $0xFFFFFFFF  }
0xa9: {  	s28 =	simm.s32 $_size_execute0_lowered;
	s5 =	sadd.s32 s5, s7;
	[dreg:$0x0] =	wrdreg $0x0  }
0xaa: {  	s7 =	sshll.u32 s28, $0x1;
	[dreg:$0x2] =	wrdreg s5  }
0xab: {  	[dreg:$0x3] =	wrdreg s7  }
0xac: {  	[dreg:$0x4] =	wrdreg $0xC0  }
0xad: {  	_ =	task [dreg:s9], $0x5FFFF  }
0xae: {  	[dreg:$0x1] =	wrdreg $0xFFFFFFFF  }
0xaf: {  	[dreg:$0x0] =	wrdreg $0x60  }
0xb0: {  	[dreg:$0x2] =	wrdreg s2  }
0xb1: {  	[dreg:$0x3] =	wrdreg s18  }
0xb2: {  	[dreg:$0x4] =	wrdreg s4  }
0xb3: {  	[dreg:$0x5] =	wrdreg s24  }
0xb4: {  	[dreg:$0x6] =	wrdreg $0x9  }
0xb5: {  	_ =	task.clear_ibuf [dreg:s9], $0x7FFFF;
	_ =	strace $0x90000046  }
0xb6: {  	s29 =	simm.s32 $0x9;
	_ =	strace $0x80000048  }
0xb7: {  	_ =	swait.ge [sflag:s29], $0x1  }
0xb8: {  	[sflag:s29] =	ssyncadd.s32 $0xFFFFFFFF  }
0xb9: {  	_ =	strace $0x90000048  }
0xba: {  	_ =	sfence  }
0xbb: {  	s30 =	sld [smem:$0x0];
	_ =	sdelay $0x2  }
0xbc: {  	s31 =	sshll.u32 s1, $0xD;
	s1 =	sshrl.u32 s1, $0x2  }
0xbd: {  	s3 =	sand.u32 $0x4000, s31;
	s1 =	sadd.s32 s1, s30  }
0xbe: {  	s0 =	sor.u32 s3, s0;
	s1 =	sshll.u32 s1, $0x11  }
0xbf: {  	s0 =	sor.u32 s1, s0  }
0xc0: {  	s0 =	sadd.s32 $0x8F2B, s0  }
0xc1: {  	[sflag:s0] =	ssyncadd.remote.s32 $0x1  }
0xc2: {  	_ =	sfence.sel $0xFFFF  }
0xc3: {  	[dreg:$0x0] =	wrdreg $0xFFFFFFFF;
	(pc) =	sbr.abs _section_cstart, $3  }
0xc4: {  	[dreg:$0x1] =	wrdreg $0xFFFFFFFF  }
0xc5: {  	_ =	task.clear_ibuf [dreg:s9], $0x2FFFF;
	_ =	strace $0x9FFFFFFF  }
0xc6: {  	(tm) =	ssettm $0x7FFFFFFF  }
0xc7: {  	_ =	shalt  }
tec
execute0_lowered:
.L_overlay_start_1:
0x0: {  	(tag) =	ssettag $0x1  }
0x1: {  	s0 =	rddreg [dreg:$0x0]  }
0x2: {  	s1 =	rddreg [dreg:$0x1]  }
0x3: {  	s2 =	rddreg [dreg:$0x2]  }
0x4: {  	s3 =	rddreg [dreg:$0x3];
	s4 =	srdreg.scid  }
0x5: {  	s6 =	stileid.u32;
	s7 =	simm.s32 $0x0;
	s13 =	simm.s32 $0x400  }
0x6: {  	s14 =	simm.s32 $0x200;
	s15 =	simm.s32 $0xC00;
	s16 =	simm.s32 $0xE00  }
0x7: {  	s17 =	simm.s32 $0x1000;
	s28 =	simm.s32 $0x2;
	s30 =	simm.s32 $0x3  }
0x8: {  	s31 =	simm.s32 $0x0;
	s4 =	sand.u32 $0x1, s4;
	s5 =	sshll.u32 s6, $0x1  }
0x9: {  	[smem:$0x7FF] =	sst s7;
	s6 =	sshrl.u32 s6, $0x1;
	s5 =	sor.u32 s4, s5  }
0xa: {  	_ =	strace $0x80000047;
	s4 =	ssub.s32 $0x2, s4;
	s8 =	sshll.u32 s6, $0xC  }
0xb: {  	s6 =	sshll.u32 s6, $0xE;
	s18 =	sshll.u32 s5, $0x8;
	s5 =	sshll.u32 s5, $0x4  }
0xc: {  	s9 =	sshrl.u32 s4, $0x1;
	s7 =	sand.u32 $0x300, s18;
	s3 =	sadd.s32 s5, s3  }
0xd: {  	s4 =	ssub.s32 s4, s9;
	s18 =	simm.s32 $0x1;
	s10 =	sor.u32 s8, s7  }
0xe: {  	s21 =	sor.u32 $0x80, s7;
	s22 =	sor.u32 s6, s7;
	s25 =	sadd.s32 $0x400, s3  }
0xf: {  	s26 =	sadd.s32 $0x600, s3;
	s29 =	smax.u32 s4, $0x1;
	[dreg:$0xb] =	wrdreg s25  }
0x10: {  	s19 =	sshrl.u32 s10, $0x3;
	s23 =	sor.u32 s8, s21;
	[dreg:$0xc] =	wrdreg s26  }
0x11: {  	s6 =	sor.u32 s6, s21;
	[dreg:$0xd] =	wrdreg s29;
	s21 =	simm.s32 $0x2180  }
0x12: {  	s25 =	simm.s32 $0x5200;
	s26 =	simm.s32 $0x6200;
	s20 =	sadd.s32 s0, s19  }
0x13: {  	s5 =	sadd.s32 s1, s19;
	s7 =	sshrl.u32 s23, $0x3;
	s24 =	sshrl.u32 s6, $0x3  }
0x14: {  	s19 =	simm.s32 $0x2000;
	s23 =	simm.s32 $0x3200;
	[dreg:$0x5] =	wrdreg s20  }
.Ltmp0:
0x15: {  	[dreg:$0x6] =	wrdreg s5;
	s0 =	sadd.s32 s0, s7;
	(pc) =	sbr.rel .LBB2_1-.Ltmp0, $4  }
0x16: {  	s5 =	sshrl.u32 s22, $0x3;
	s1 =	sadd.s32 s1, s7;
	[dreg:$0x8] =	wrdreg s0  }
0x17: {  	s20 =	simm.s32 $0x2100;
	s5 =	sadd.s32 s2, s5;
	[dreg:$0x9] =	wrdreg s1  }
0x18: {  	v0 =	vlaneseq.u32;
	s22 =	simm.s32 $0x2200;
	s0 =	sadd.s32 s2, s24;
	[dreg:$0x7] =	wrdreg s5  }
0x19: {  	v1 =	vimm.s32 $0x0;
	v2 =	vimm.s32 $0x1;
	v3 =	vmul.u32 $0x100, v0;
	s24 =	simm.s32 $0x4200;
	[dreg:$0xa] =	wrdreg s0;
	s0 =	simm.s32 $0x0  }
.LBB2_59:
0x1a: {  	[tilespmem:$0x7200] =	vst v5;
	s0 =	simm.s32 $0x0;
	s1 =	rddreg [dreg:$0xb];
	s2 =	simm.s32 $0x7200  }
0x1b: {  	[hbm4b:s1+s0] =	stream.linear.scatter [tilespmem:s2], [sflag:$0x3], $0x80, $0x38;
	[tilespmem:$0x7280] =	vst v63  }
0x1c: {  	_ =	swait.ge [sflag:s30], $0x80  }
0x1d: {  	[sflag:s30] =	ssyncset.done $0x0  }
0x1e: {  	[sflag:s30] =	ssyncadd.s32 $0xFFFFFF80  }
0x1f: {  	s12 =	rddreg [dreg:$0xc];
	[tilespmem:$0x7200] =	vst v4  }
0x20: {  	[hbm4b:s12+s0] =	stream.linear.scatter [tilespmem:s2], [sflag:$0x3], $0x80, $0x38;
	[tilespmem:$0x7280] =	vst v63  }
0x21: {  	_ =	swait.ge [sflag:s30], $0x80  }
0x22: {  	s31 =	sadd.s32 $0x1, s31;
	s29 =	rddreg [dreg:$0xd]  }
0x23: {  	p0 =	sne.s32 s31, s29  }
.Ltmp1:
0x24: {  	_ = 	snop;
	(pc) =	sbr.rel @!p0 .LBB2_60-.Ltmp1, $3  }
0x25: {  	_ =	sdelay $0x1  }
0x26: {  	[sflag:s30] =	ssyncset.done $0x0  }
0x27: {  	[sflag:s30] =	ssyncadd.s32 $0xFFFFFF80  }
.LBB2_1:
0x28: {  	s1 =	rddreg [dreg:$0x5];
	s2 =	simm.s32 $0x80  }
0x29: {  	[tilespmem:s0], [sflag:$0x1] =	stream.strided.gather [hbm4b:s1+s2], $0x200, s13, s2, $0x38;
	[tilespmem:$0x7280] =	vst v63  }
0x2a: {  	s7 =	rddreg [dreg:$0x6]  }
0x2b: {  	[tilespmem:s14], [sflag:$0x1] =	stream.strided.gather [hbm4b:s7+s2], $0x200, s13, s2, $0x38;
	[tilespmem:$0x7280] =	vst v63  }
0x2c: {  	s8 =	rddreg [dreg:$0x7]  }
0x2d: {  	[tilespmem:s13], [sflag:$0x1] =	stream.strided.gather [hbm4b:s8+s2], $0x800, s13, s2, $0x38;
	[tilespmem:$0x7280] =	vst v63  }
0x2e: {  	s9 =	rddreg [dreg:$0x8]  }
0x2f: {  	[tilespmem:s15], [sflag:$0x2] =	stream.strided.gather [hbm4b:s9+s2], $0x200, s13, s2, $0x38;
	[tilespmem:$0x7280] =	vst v63  }
0x30: {  	s10 =	rddreg [dreg:$0x9]  }
0x31: {  	[tilespmem:s16], [sflag:$0x2] =	stream.strided.gather [hbm4b:s10+s2], $0x200, s13, s2, $0x38;
	[tilespmem:$0x7280] =	vst v63  }
0x32: {  	s11 =	rddreg [dreg:$0xa]  }
0x33: {  	[tilespmem:s17], [sflag:$0x2] =	stream.strided.gather [hbm4b:s11+s2], $0x800, s13, s2, $0x38;
	[tilespmem:$0x7280] =	vst v63  }
0x34: {  	_ =	swait.ge [sflag:s18], $0x200  }
0x35: {  	[sflag:s18] =	ssyncset.done $0x0  }
0x36: {  	[sflag:s18] =	ssyncadd.s32 $0xFFFFFE00  }
0x37: {  	v4 =	vor.u32 s0, v0;
	_ =	swait.ge [sflag:s18], $0x200  }
0x38: {  	v5 =	vshll.u32 v4, $0x1;
	[sflag:s18] =	ssyncset.done $0x0  }
0x39: {  	v6 =	vor.u32 $0x1, v5;
	[sflag:s18] =	ssyncadd.s32 $0xFFFFFE00  }
0x3a: {  	_ =	swait.ge [sflag:s18], $0x800  }
0x3b: {  	[sflag:s18] =	ssyncset.done $0x0  }
0x3c: {  	[sflag:s18] =	ssyncadd.s32 $0xFFFFF800  }
0x3d: {  	[tilespmem:$0x2100] =	vst v1  }
0x3e: {  	v5 =	vld.idx.msk [tilespmem:v6+s0+$0x0], $0xffff  }
0x3f: {  	v7 =	vshll.u32 v4, $0x3;
	v6 =	vld.idx.msk [tilespmem:v6+s14+$0x0], $0xffff  }
0x40: {  	v8 =	vor.u32 $0x6, v7  }
0x41: {  	v9 =	vor.u32 $0x7, v7  }
0x42: {  	v10 =	vor.u32 $0x4, v7;
	s0 =	simm.s32 $0x1800  }
0x43: {  	s1 =	simm.s32 $0x1900;
	v7 =	vor.u32 $0x5, v7;
	[tilespmem:s0+$0x0] =	vst v5  }
0x44: {  	[tilespmem:s1+$0x0] =	vst v6  }
0x45: {  	v6 =	vld.idx.msk [tilespmem:v8+s13+$0x0], $0xffff  }
0x46: {  	(xrf1) =	vunique.msk.u32 $0xffff, v5;
	v8 =	vld.idx.msk [tilespmem:v9+s13+$0x0], $0xffff  }
0x47: {  	v9 =	vld.idx.msk [tilespmem:v10+s13+$0x0], $0xffff  }
0x48: {  	v7 =	vld.idx.msk [tilespmem:v7+s13+$0x0], $0xffff;
	_ =	sdelay $0x1  }
0x49: {  	v6 =	vmul.f32 $1.440000000e+03, v6  }
0x4a: {  	v8 =	vmul.f32 $2.560000000e+03, v8  }
0x4b: {  	v9 =	vmul.f32 $1.440000000e+03, v9;
	v10 =	vmul.f32 $5.000000000e-01, v6  }
0x4c: {  	v7 =	vmul.f32 $2.560000000e+03, v7;
	v11 =	vmul.f32 $5.000000000e-01, v8  }
0x4d: {  	v12 =	vsub.f32 v9, v10  }
0x4e: {  	v13 =	vsub.f32 v7, v11;
	v7 =	vadd.f32 v11, v7  }
0x4f: {  	s12 =	simm.s32 $0x1B00  }
0x50: {  	s3 =	simm.s32 $0x1C00;
	v9 =	vadd.f32 v10, v9;
	[tilespmem:s12+$0x0] =	vst v12  }
0x51: {  	s4 =	simm.s32 $0x1D00;
	[tilespmem:s3+$0x0] =	vst v13  }
0x52: {  	s6 =	simm.s32 $0x1E00;
	s5 =	simm.s32 $0x10;
	[tilespmem:s4+$0x0] =	vst v9  }
0x53: {  	v10 =	vmul.f32 v8, v6;
	v6 =	vor.u32 s5, v0;
	[tilespmem:s6+$0x0] =	vst v7;
	_, v7, vm0 =	vpop (xrf1)  }
0x54: {  	s29 =	simm.s32 $0x1800;
	v8 =	vshll.u32 v6, $0x1  }
0x55: {  	s7 =	simm.s32 $0x1B10;
	s8 =	simm.s32 $0x1F00;
	s9 =	simm.s32 $0x1910;
	v8 =	vor.u32 $0x1, v8  }
0x56: {  	s10 =	simm.s32 $0x0;
	s2 =	simm.s32 $0x20;
	s5 =	simm.s32 $0x1E10  }
0x57: {  	s4 =	simm.s32 $0x1D10;
	s6 =	simm.s32 $0x1F10;
	v7 =	vshll.u32 v6, $0x3;
	[tilespmem:s8+$0x0] =	vst v10;
	s8 =	simm.s32 $0x1C10  }
.LBB2_2:
0x58: {  	s3 =	simm.s32 $0x0  }
0x59: {  	[tilespmem:v5+s19+$0x0] =	vst.idx.msk vm0, v4;
	s29 =	sadd.s32 $0x10, s29;
	v4 =	vmov v6;
	s12 =	smov.u32 s2;
	s11 =	sadd.s32 $0x10, s2  }
0x5a: {  	p0 =	sne.s32 s2, $0xF0;
	v5 =	vld.idx.msk [tilespmem:v8+s10+$0x0], $0xffff;
	s10 =	smov.u32 s3  }
0x5b: {  	v6 =	vld.idx.msk [tilespmem:v8+s14+$0x0], $0xffff;
	_ =	sdelay $0x1  }
0x5c: {  	v8 =	vor.u32 $0x6, v7  }
0x5d: {  	v9 =	vor.u32 $0x7, v7  }
0x5e: {  	v10 =	vor.u32 $0x4, v7  }
0x5f: {  	v7 =	vor.u32 $0x5, v7;
	[tilespmem:s29+$0x0] =	vst v5;
	(xrf1) =	vunique.msk.u32 $0xffff, v5  }
0x60: {  	[tilespmem:s9+$0x0] =	vst v6  }
0x61: {  	v6 =	vld.idx.msk [tilespmem:v8+s13+$0x0], $0xffff  }
0x62: {  	v8 =	vld.idx.msk [tilespmem:v9+s13+$0x0], $0xffff  }
0x63: {  	v9 =	vld.idx.msk [tilespmem:v10+s13+$0x0], $0xffff  }
0x64: {  	v7 =	vld.idx.msk [tilespmem:v7+s13+$0x0], $0xffff;
	_ =	sdelay $0x2  }
0x65: {  	v6 =	vmul.f32 $1.440000000e+03, v6  }
0x66: {  	v8 =	vmul.f32 $2.560000000e+03, v8  }
0x67: {  	v9 =	vmul.f32 $1.440000000e+03, v9;
	v10 =	vmul.f32 $5.000000000e-01, v6  }
0x68: {  	v13 =	vmul.f32 $2.560000000e+03, v7;
	v11 =	vmul.f32 $5.000000000e-01, v8  }
0x69: {  	v12 =	vsub.f32 v9, v10;
	v9 =	vadd.f32 v10, v9;
	v10 =	vmul.f32 v8, v6  }
0x6a: {  	v8 =	vsub.f32 v13, v11;
	v11 =	vadd.f32 v11, v13  }
0x6b: {  	v6 =	vor.u32 s12, v0;
	[tilespmem:s7+$0x0] =	vst v12;
	_, v7, vm0 =	vpop (xrf1)  }
.Ltmp2:
0x6c: {  	v12 =	vshll.u32 v6, $0x1;
	v7 =	vshll.u32 v6, $0x3;
	[tilespmem:s8+$0x0] =	vst v8;
	(pc) =	sbr.rel @p0 .LBB2_2-.Ltmp2, $4  }
0x6d: {  	v8 =	vor.u32 $0x1, v12;
	[tilespmem:s4+$0x0] =	vst v9  }
0x6e: {  	s2 =	smov.u32 s11;
	[tilespmem:s5+$0x0] =	vst v11  }
0x6f: {  	s4 =	sadd.s32 $0x10, s4;
	s5 =	sadd.s32 $0x10, s5;
	[tilespmem:s6+$0x0] =	vst v10;
	s6 =	sadd.s32 $0x10, s6  }
0x70: {  	s9 =	sadd.s32 $0x10, s9;
	s7 =	sadd.s32 $0x10, s7;
	s8 =	sadd.s32 $0x10, s8  }
0x71: {  	_ =	sdelay $0x4  }
0x72: {  	[tilespmem:v5+s19+$0x0] =	vst.idx.msk vm0, v4  }
0x73: {  	v4 =	vld.idx.msk [tilespmem:v8+s10+$0x0], $0xffff;
	_ =	sdelay $0x2  }
0x74: {  	v5 =	vld.idx.msk [tilespmem:v8+s14+$0x0], $0xffff  }
0x75: {  	v59 =	vor.u32 $0x6, v7  }
0x76: {  	v9 =	vor.u32 $0x7, v7;
	(xrf1) =	vunique.msk.u32 $0xffff, v4  }
0x77: {  	s2 =	sadd.s32 $0x10, s29;
	v10 =	vor.u32 $0x4, v7  }
0x78: {  	v60 =	vor.u32 $0x5, v7;
	[tilespmem:s2+$0x0] =	vst v4  }
0x79: {  	[tilespmem:s9+$0x0] =	vst v5  }
0x7a: {  	v5 =	vld.idx.msk [tilespmem:v59+s13+$0x0], $0xffff  }
0x7b: {  	v61 =	vld.idx.msk [tilespmem:v9+s13+$0x0], $0xffff  }
0x7c: {  	v62 =	vld.idx.msk [tilespmem:v10+s13+$0x0], $0xffff  }
0x7d: {  	v7 =	vld.idx.msk [tilespmem:v60+s13+$0x0], $0xffff;
	_ =	sdelay $0x1  }
0x7e: {  	v5 =	vmul.f32 $1.440000000e+03, v5  }
0x7f: {  	v8 =	vmul.f32 $2.560000000e+03, v61  }
0x80: {  	v9 =	vmul.f32 $1.440000000e+03, v62;
	v63 =	vmul.f32 $5.000000000e-01, v5  }
0x81: {  	v7 =	vmul.f32 $2.560000000e+03, v7;
	v11 =	vmul.f32 $5.000000000e-01, v8  }
0x82: {  	v12 =	vsub.f32 v9, v63  }
0x83: {  	v13 =	vsub.f32 v7, v11;
	_, v14, vm15 =	vpop (xrf1)  }
0x84: {  	v9 =	vadd.f32 v63, v9;
	[tilespmem:s7+$0x0] =	vst v12  }
0x85: {  	v7 =	vadd.f32 v11, v7;
	[tilespmem:s8+$0x0] =	vst v13  }
0x86: {  	v5 =	vmul.f32 v8, v5;
	[tilespmem:s4+$0x0] =	vst v9  }
0x87: {  	[tilespmem:s5+$0x0] =	vst v7  }
0x88: {  	[tilespmem:s6+$0x0] =	vst v5  }
0x89: {  	s2 =	simm.s32 $0x1A00;
	[tilespmem:v4+s19+$0x0] =	vst.idx.msk vm15, v6  }
.LBB2_4:
0x8a: {  	v4 =	vld [tilespmem:s0+$0x0];
	_ =	sdelay $0x7  }
0x8b: {  	v4 =	vld.idx.msk [tilespmem:v4+s19+$0x0], $0xffff;
	_ =	sdelay $0x3  }
0x8c: {  	v5 =	vor.u32 s3, v0  }
0x8d: {  	vm0 =	veq.s32 v4, v5  }
0x8e: {  	v4 =	vsel vm0, $0x1, v1  }
0x8f: {  	[tilespmem:s2+$0x0] =	vst v4  }
0x90: {  	v4 =	vld [tilespmem:s1+$0x0];
	_ =	sdelay $0x2  }
0x91: {  	p0 =	sne.s32 s3, $0xF0  }
.Ltmp3:
0x92: {  	_ = 	snop;
	(pc) =	sbr.rel @p0 .LBB2_4-.Ltmp3, $3  }
0x93: {  	_ =	sdelay $0x1  }
0x94: {  	s0 =	sadd.s32 $0x10, s0  }
0x95: {  	s3 =	sadd.s32 $0x10, s3;
	s2 =	sadd.s32 $0x10, s2;
	s1 =	sadd.s32 $0x10, s1;
	[tilespmem:v4+s20+$0x0] =	vst.idx.add.s32.msk vm0, v2  }
0x96: {  	[tilespmem:$0x2180] =	vst v3;
	s0 =	simm.s32 $0x0;
	s1 =	simm.s32 $0x0  }
.LBB2_6:
0x97: {  	s2 =	sshra.s32 s1, $0x2  }
0x98: {  	v4 =	vld [tilespmem:s2+$0x1A00]  }
0x99: {  	v5 =	vld [tilespmem:s2+$0x1900];
	_ =	sdelay $0x3  }
0x9a: {  	vm0 =	vne.s32 v4, $0x0  }
0x9b: {  	(xrf1) =	vunique.msk.u32 vm0, v5;
	_ =	sdelay $0x9  }
0x9c: {  	v4 =	vld.idx.msk [tilespmem:v5+s21+$0x0], $0xffff;
	_ =	sdelay $0x3  }
0x9d: {  	_, v6, _ =	vpop (xrf1)  }
0x9e: {  	v4 =	vadd.s32 v6, v4  }
0x9f: {  	v63 =	vld [tilespmem:s2+$0x1B00];
	v4 =	vadd.s32 $0xFFFFFFFF, v4;
	_ =	sdelay $0x4  }
0xa0: {  	[tilespmem:v4+s22+$0x0] =	vst.idx.msk vm0, v63  }
0xa1: {  	v6 =	vld [tilespmem:s2+$0x1C00];
	_ =	sdelay $0x4  }
0xa2: {  	[tilespmem:v4+s23+$0x0] =	vst.idx.msk vm0, v6  }
0xa3: {  	v6 =	vld [tilespmem:s2+$0x1D00];
	_ =	sdelay $0x4  }
0xa4: {  	[tilespmem:v4+s24+$0x0] =	vst.idx.msk vm0, v6  }
0xa5: {  	v6 =	vld [tilespmem:s2+$0x1E00];
	_ =	sdelay $0x4  }
0xa6: {  	[tilespmem:v4+s25+$0x0] =	vst.idx.msk vm0, v6  }
0xa7: {  	v6 =	vld [tilespmem:s2+$0x1F00]  }
0xa8: {  	p0 =	sne.s32 s1, $0x3C0  }
.Ltmp4:
0xa9: {  	_ = 	snop;
	(pc) =	sbr.rel @p0 .LBB2_6-.Ltmp4, $3  }
0xaa: {  	_ =	sdelay $0x1  }
0xab: {  	[tilespmem:v4+s26+$0x0] =	vst.idx.msk vm0, v6  }
0xac: {  	s1 =	sadd.s32 $0x40, s1;
	[tilespmem:v5+s21+$0x0] =	vst.idx.add.s32.msk vm0, v2  }
.Ltmp5:
0xad: {  	(pc) =	sbr.rel .LBB2_8-.Ltmp5, $2  }
0xae: {  	_ =	sdelay $0x2  }
0xaf: {  	v4 =	vimm.f32 $0.0e+00;
	v5 =	vimm.f32 $0.0e+00;
	s1 =	simm.s32 $0x0  }
.LBB2_11:
0xb0: {  	v14 =	vmov v12;
	v20 =	vmov v5;
	v19 =	vmov v4;
	s3 =	simm.s32 $0x0  }
.LBB2_18:
0xb1: {  	_ = 	snop  }
0xb2: {  	vm0 =	vmand @p1 vm0, vm1;
	vm1 =	vmand @p1 vm2, vm3  }
0xb3: {  	v21 =	vmul.f32 @p1 v22, v21;
	v18 =	vmax.f32 @p0 v18, v7;
	v15 =	vmax.f32 @p0 v15, v8  }
0xb4: {  	v16 =	vmin.f32 @p0 v16, v9;
	vm11 =	vgt.s32 v6, v0;
	v63 =	vmov s3  }
0xb5: {  	v12 =	vld.idx.msk [tilespmem:v12+s22+$0x0], $0xffff;
	vm0 =	vmand @p1 vm0, vm1;
	v17 =	vmin.f32 @p0 v17, v10;
	vm2 =	vge.f32 @p0 v16, v18  }
0xb6: {  	v58 =	vld.idx.msk [tilespmem:v14+s23+$0x0], $0xffff;
	vm12 =	vlt.u32 v63, v0;
	v21 =	vnsel @p1 vm0, $0x0, v21;
	v22 =	vsub.f32 @p0 v17, v15  }
0xb7: {  	v24 =	vld.idx.msk [tilespmem:v14+s24+$0x0], $0xffff;
	v23 =	vsel @p1 vm0, $0x3F800000, v1;
	vm0 =	vgt.s32 @p0 v6, v0;
	vm3 =	vge.f32 @p0 v17, v15  }
0xb8: {  	v59 =	vld.idx.msk [tilespmem:v14+s25+$0x0], $0xffff;
	v20 =	vadd.f32 @p1 v21, v20;
	v21 =	vsub.f32 @p0 v16, v18;
	v11 =	vmin.f32 v13, v11  }
0xb9: {  	v19 =	vadd.f32 @p1 v23, v19;
	v23 =	vmov @p0 s6;
	(erf) = vrcp.f32 v11  }
0xba: {  	vm2 =	vmmov @p0 vm2;
	vm0 =	vmmov @p0 vm0;
	vm1 =	vlt.u32 @p0 v23, v0  }
0xbb: {  	vm3 =	vmmov @p0 vm3;
	v11 =	vmul.f32 @p0 v22, v21;
	vm1 =	vmmov @p0 vm1  }
0xbc: {  	v16 =	vpsel p1, v20, v5;
	v17 =	vpsel p1, v19, v4;
	v7 =	vmax.f32 v12, v7  }
0xbd: {  	v60 =	vmax.f32 v58, v8;
	v61 =	vmin.f32 v24, v9;
	v62 =	vmin.f32 v59, v10  }
0xbe: {  	v15 =	vpop @p0 (erf);
	vm0 =	vmand @p0 vm0, vm1;
	vm1 =	vmand @p0 vm2, vm3;
	v12 =	vsub.f32 v61, v7  }
0xbf: {  	v13 =	vsub.f32 v62, v60;
	v11 =	vpsel p0, v11, v0;
	v15 =	vpsel p0, v15, v0  }
0xc0: {  	vm13 =	vge.f32 v61, v7;
	vm0 =	vmand @p0 vm0, vm1;
	v11 =	vmul.f32 @p0 v15, v11  }
0xc1: {  	vm14 =	vge.f32 v62, v60;
	v14 =	vsel @p0 vm0, $0x3F800000, v1;
	v12 =	vmul.f32 v13, v12  }
0xc2: {  	vm15 =	vmand vm13, vm14;
	v6 =	vadd.f32 @p0 v14, v17;
	v11 =	vnsel @p0 vm0, $0x0, v11;
	v7 =	vpop (erf)  }
0xc3: {  	vm0 =	vmand vm11, vm12;
	v11 =	vadd.f32 @p0 v11, v16;
	v7 =	vmul.f32 v7, v12  }
0xc4: {  	vm0 =	vmand vm0, vm15;
	v4 =	vpsel p0, v6, v4  }
0xc5: {  	v5 =	vpsel p0, v11, v5;
	v6 =	vnsel vm0, $0x0, v7;
	v7 =	vsel vm0, $0x3F800000, v1  }
0xc6: {  	v5 =	vadd.f32 v6, v5;
	v4 =	vadd.f32 v7, v4  }
.LBB2_29:
0xc7: {  	s1 =	sadd.s32 $0x1, s1  }
0xc8: {  	p0 =	sne.s32 s1, $0x10  }
.Ltmp6:
0xc9: {  	_ = 	snop;
	(pc) =	sbr.rel @!p0 .LBB2_30-.Ltmp6, $2  }
0xca: {  	_ =	sdelay $0x2  }
0xcb: {  	s0 =	sadd.s32 $0x100, s0  }
.LBB2_8:
0xcc: {  	v6 =	vld [tilespmem:s1+$0x2100];
	_ =	sdelay $0x4  }
0xcd: {  	(v2sf) =	vpush v6, $0x0;
	_ =	sdelay $0xe  }
0xce: {  	s2 =	spop (v2sf)  }
0xcf: {  	p0 =	sgt.s32 s2, $0x10  }
.Ltmp7:
0xd0: {  	_ = 	snop;
	(pc) =	sbr.rel @p0 .LBB2_19-.Ltmp7, $2  }
0xd1: {  	_ =	sdelay $0x2  }
0xd2: {  	s3 =	sshll.u32 s1, $0x8  }
0xd3: {  	s4 =	sadd.s32 $0xFFFFFFFF, s2  }
0xd4: {  	p0 =	slt.s32 s4, $0x1  }
.Ltmp8:
0xd5: {  	_ = 	snop;
	(pc) =	sbr.rel @p0 .LBB2_29-.Ltmp8, $1  }
0xd6: {  	_ =	sdelay $0x3  }
0xd7: {  	s2 =	sadd.s32 $0x0, s0  }
0xd8: {  	v7 =	vld [tilespmem:s3+$0x2200];
	p2 =	seq.s32 s4, $0x1;
	v12 =	vmov s2  }
.Ltmp9:
0xd9: {  	v8 =	vld [tilespmem:s3+$0x3200];
	(pc) =	sbr.rel @p2 .LBB2_11-.Ltmp9, $4  }
0xda: {  	v9 =	vld [tilespmem:s3+$0x4200]  }
0xdb: {  	v10 =	vld [tilespmem:s3+$0x5200]  }
0xdc: {  	v11 =	vld [tilespmem:s3+$0x6200];
	s6 =	simm.s32 $0x0  }
0xdd: {  	v6 =	vbroadcast v6, $0x0;
	s5 =	simm.s32 $0x1;
	p0 =	por $0x0, $0x0;
	p1 =	por $0x0, $0x0;
	v13 =	vld.idx.msk [tilespmem:v12+s26+$0x0], $0xffff  }
0xde: {  	_ =	sdelay $0x1  }
0xdf: {  	s2 =	sadd.s32 $0x1, s0  }
0xe0: {  	p2 =	seq.s32 s4, $0x2;
	v14 =	vmov s2  }
.Ltmp10:
0xe1: {  	v18 =	vld.idx.msk [tilespmem:v12+s22+$0x0], $0xffff;
	(pc) =	sbr.rel @p2 .LBB2_13-.Ltmp10, $4  }
0xe2: {  	v15 =	vld.idx.msk [tilespmem:v12+s23+$0x0], $0xffff  }
0xe3: {  	v16 =	vld.idx.msk [tilespmem:v12+s24+$0x0], $0xffff  }
0xe4: {  	v17 =	vld.idx.msk [tilespmem:v12+s25+$0x0], $0xffff;
	v12 =	vmin.f32 v13, v11  }
0xe5: {  	s3 =	simm.s32 $0x2;
	p0 =	por $0x1, $0x1;
	(erf) = vrcp.f32 v12;
	v13 =	vld.idx.msk [tilespmem:v14+s26+$0x0], $0xffff  }
0xe6: {  	_ =	sdelay $0x3  }
0xe7: {  	v19 =	vmax.f32 v18, v7;
	v18 =	vld.idx.msk [tilespmem:v14+s22+$0x0], $0xffff  }
0xe8: {  	s2 =	sadd.s32 $0x2, s0;
	v20 =	vmax.f32 v15, v8;
	v15 =	vld.idx.msk [tilespmem:v14+s23+$0x0], $0xffff  }
0xe9: {  	p2 =	seq.s32 s4, $0x3;
	v12 =	vmov s2;
	v22 =	vmin.f32 v16, v9;
	v16 =	vld.idx.msk [tilespmem:v14+s24+$0x0], $0xffff  }
.Ltmp11:
0xea: {  	v23 =	vmin.f32 v17, v10;
	v17 =	vld.idx.msk [tilespmem:v14+s25+$0x0], $0xffff;
	v14 =	vmov s6;
	(pc) =	sbr.rel @p2 .LBB2_15-.Ltmp11, $4  }
0xeb: {  	v21 =	vsub.f32 v22, v19;
	v24 =	vsub.f32 v23, v20  }
0xec: {  	vm0 =	vgt.s32 v6, v0;
	vm2 =	vge.f32 v22, v19;
	v13 =	vmin.f32 v13, v11  }
0xed: {  	vm1 =	vlt.u32 v14, v0;
	(erf) = vrcp.f32 v13;
	v21 =	vmul.f32 v24, v21;
	v14 =	vmovc v12  }
0xee: {  	p1 =	por $0x1, $0x1;
	s2 =	simm.s32 $0x3;
	v19 =	vmov v4;
	vm3 =	vge.f32 v23, v20;
	v20 =	vmov v5;
	v13 =	vld.idx.msk [tilespmem:v12+s26+$0x0], $0xffff;
	v22 =	vpop (erf)  }
.LBB2_16:
0xef: {  	s6 =	sadd.s32 s2, s0;
	vm1 =	vmand vm0, vm1;
	vm2 =	vmand vm2, vm3;
	v21 =	vmul.f32 v22, v21;
	s7 =	smov.u32 s2  }
0xf0: {  	s2 =	sadd.s32 $0x1, s2;
	v22 =	vmov s6;
	vm1 =	vmand vm1, vm2  }
0xf1: {  	v23 =	vmax.f32 v18, v7;
	v24 =	vmax.f32 v15, v8;
	p2 =	seq.s32 s4, s2;
	v18 =	vld.idx.msk [tilespmem:v12+s22+$0x0], $0xffff;
	v21 =	vnsel vm1, $0x0, v21;
	v12 =	vmovc v22  }
.Ltmp12:
0xf2: {  	v25 =	vmin.f32 v16, v9;
	v26 =	vmin.f32 v17, v10;
	v15 =	vld.idx.msk [tilespmem:v14+s23+$0x0], $0xffff;
	v20 =	vadd.f32 v21, v20;
	(pc) =	sbr.rel @!p2 .LBB2_16-.Ltmp12, $4  }
0xf3: {  	v28 =	vsel vm1, $0x3F800000, v1;
	v21 =	vsub.f32 v25, v23;
	v27 =	vsub.f32 v26, v24;
	v16 =	vld.idx.msk [tilespmem:v14+s24+$0x0], $0xffff  }
0xf4: {  	v19 =	vadd.f32 v28, v19;
	v13 =	vmin.f32 v13, v11;
	v17 =	vld.idx.msk [tilespmem:v14+s25+$0x0], $0xffff  }
0xf5: {  	v28 =	vmov s5;
	s5 =	smov.u32 s3;
	s3 =	smov.u32 s7;
	v21 =	vmul.f32 v27, v21;
	v14 =	vmovc v22;
	(erf) = vrcp.f32 v13  }
0xf6: {  	vm2 =	vge.f32 v25, v23;
	vm3 =	vge.f32 v26, v24;
	vm1 =	vlt.u32 v28, v0;
	v13 =	vld.idx.msk [tilespmem:v22+s26+$0x0], $0xffff;
	v22 =	vpop (erf)  }
.Ltmp13:
0xf7: {  	(pc) =	sbr.rel .LBB2_18-.Ltmp13, $2  }
0xf8: {  	_ =	sdelay $0x2  }
0xf9: {  	s6 =	smov.u32 s5  }
.LBB2_19:
0xfa: {  	s4 =	sadd.s32 $0xF, s2  }
0xfb: {  	s5 =	sshra.s32 s4, $0x1F;
	s6 =	sand.u32 $0xF, s4;
	p0 =	slt.s32 s4, $0x0  }
.Ltmp14:
0xfc: {  	s5 =	sshrl.u32 s5, $0x1C;
	p1 =	sne.s32 s6, $0x0;
	(pc) =	sbr.rel .LBB2_20-.Ltmp14, $4  }
0xfd: {  	s12 =	sshll.u32 s1, $0x4;
	s4 =	sadd.s32 s5, s4;
	p0 =	por !p0, !p1  }
0xfe: {  	s5 =	simm.s32 $0x1;
	s4 =	sshra.s32 s4, $0x4;
	p0 =	por !p0, !p0  }
0xff: {  	s29 =	sadd.s32 s3, s2;
	s4 =	sadd.s32 s12, s4;
	s5 =	simm.s32 @!p0 $0x0  }
0x100: {  	v6 =	vmov s29;
	s6 =	simm.s32 $0x0;
	s4 =	ssub.s32 s4, s5;
	s5 =	sadd.s32 $0xFFFFFFFE, s2  }
.LBB2_22:
0x101: {  	v17 =	vmov v5;
	s11 =	smov.u32 s7;
	v18 =	vmov v4  }
.LBB2_27:
0x102: {  	vm0 =	vmand @p0 vm0, vm1;
	vm1 =	vmand @p0 vm2, vm3  }
0x103: {  	v13 =	vmul.f32 @p0 v20, v19;
	v8 =	vmax.f32 v8, v12;
	v9 =	vmax.f32 v9, v14  }
0x104: {  	s2 =	sadd.s32 @p0 $0x10, s11;
	vm0 =	vmand @p0 vm0, vm1;
	v10 =	vmin.f32 v10, v15;
	v11 =	vmin.f32 v11, v16  }
0x105: {  	s7 =	smov.u32 @p0 s2;
	v12 =	vnsel @p0 vm0, $0x0, v13;
	v62 =	vsub.f32 v10, v8;
	v14 =	vsub.f32 v11, v9  }
0x106: {  	v15 =	vsel @p0 vm0, $0x3F800000, v1;
	v63 =	vor.u32 s7, v0;
	vm13 =	vge.f32 v10, v8  }
0x107: {  	v12 =	vadd.f32 @p0 v12, v17;
	vm11 =	vgt.s32 v63, v7;
	v7 =	vmul.f32 v14, v62  }
0x108: {  	v15 =	vadd.f32 @p0 v15, v18;
	vm12 =	vlt.s32 v63, v6;
	vm14 =	vge.f32 v11, v9;
	v8 =	vpop (erf)  }
0x109: {  	vm0 =	vmand vm11, vm12;
	vm15 =	vmand vm13, vm14;
	v7 =	vmul.f32 v8, v7  }
0x10a: {  	v5 =	vpsel p0, v12, v5;
	vm0 =	vmand vm0, vm15  }
0x10b: {  	v4 =	vpsel p0, v15, v4;
	v8 =	vsel vm0, $0x3F800000, v1;
	v7 =	vnsel vm0, $0x0, v7  }
0x10c: {  	v4 =	vadd.f32 v8, v4;
	v5 =	vadd.f32 v7, v5  }
.LBB2_28:
0x10d: {  	p0 =	sne.s32 s6, s5  }
.Ltmp15:
0x10e: {  	_ = 	snop;
	(pc) =	sbr.rel @!p0 .LBB2_29-.Ltmp15, $3  }
0x10f: {  	_ =	sdelay $0x1  }
0x110: {  	s2 =	sadd.s32 $0x1, s6  }
0x111: {  	s6 =	smov.u32 s2  }
.LBB2_20:
0x112: {  	s2 =	sadd.s32 s3, s6;
	s7 =	sand.u32 $0xF, s6  }
0x113: {  	s8 =	sshra.s32 s2, $0x1F;
	p0 =	slt.s32 s2, $0x1;
	p1 =	sne.s32 s7, $0x0  }
0x114: {  	s29 =	sshrl.u32 s8, $0x1C;
	p0 =	por !p0, !p1  }
0x115: {  	s8 =	simm.s32 $0x1;
	s7 =	sadd.s32 s29, s2;
	p0 =	por !p0, !p0  }
0x116: {  	s7 =	sshra.s32 s7, $0x4;
	s8 =	simm.s32 @!p0 $0x0  }
0x117: {  	s7 =	ssub.s32 s7, s8  }
0x118: {  	p0 =	sge.s32 s7, s4  }
.Ltmp16:
0x119: {  	_ = 	snop;
	(pc) =	sbr.rel @p0 .LBB2_28-.Ltmp16, $1  }
0x11a: {  	_ =	sdelay $0x3  }
0x11b: {  	s29 =	sshll.u32 s7, $0x6  }
0x11c: {  	v7 =	vmov s2;
	s2 =	sshra.s32 s29, $0x2  }
0x11d: {  	s12 =	sadd.s32 $0x6200, s2  }
0x11e: {  	s8 =	sadd.s32 $0x2200, s2;
	v16 =	vld [tilespmem:s12+$0x0]  }
0x11f: {  	s9 =	sadd.s32 $0x3200, s2;
	v12 =	vld [tilespmem:s8+$0x0]  }
0x120: {  	v14 =	vld [tilespmem:s9+$0x0]  }
0x121: {  	s11 =	sadd.s32 $0x4200, s2;
	v13 =	vld.idx.msk [tilespmem:v7+s26+$0x0], $0xffff  }
0x122: {  	v15 =	vld [tilespmem:s11+$0x0]  }
0x123: {  	s10 =	sadd.s32 $0x1, s7;
	v8 =	vld.idx.msk [tilespmem:v7+s22+$0x0], $0xffff  }
0x124: {  	p1 =	slt.s32 s10, s4;
	v9 =	vld.idx.msk [tilespmem:v7+s23+$0x0], $0xffff  }
.Ltmp17:
0x125: {  	v10 =	vld.idx.msk [tilespmem:v7+s24+$0x0], $0xffff;
	(pc) =	sbr.rel @!p1 .LBB2_22-.Ltmp17, $3  }
0x126: {  	s2 =	sadd.s32 $0x5200, s2;
	v11 =	vld.idx.msk [tilespmem:v7+s25+$0x0], $0xffff;
	v17 =	vmin.f32 v13, v16  }
0x127: {  	v16 =	vld [tilespmem:s2+$0x0];
	(erf) = vrcp.f32 v17;
	_ =	sdelay $0x1  }
0x128: {  	s7 =	sshll.u32 s7, $0x4;
	p0 =	por $0x0, $0x0;
	s12 =	sadd.s32 $0x10, s12  }
0x129: {  	v17 =	vld [tilespmem:s12+$0x0];
	_ =	sdelay $0x1  }
0x12a: {  	v18 =	vmax.f32 v8, v12;
	s8 =	sadd.s32 $0x10, s8;
	s10 =	sadd.s32 $0x1, s10  }
0x12b: {  	v20 =	vmax.f32 v9, v14;
	v21 =	vmin.f32 v10, v15;
	s9 =	sadd.s32 $0x10, s9;
	v12 =	vld [tilespmem:s8+$0x0];
	p1 =	slt.s32 s10, s4;
	v22 =	vmin.f32 v11, v16  }
.Ltmp18:
0x12c: {  	s29 =	sadd.s32 $0x10, s11;
	v14 =	vld [tilespmem:s9+$0x0];
	v16 =	vsub.f32 v21, v18;
	v19 =	vsub.f32 v22, v20;
	(pc) =	sbr.rel @!p1 .LBB2_24-.Ltmp18, $4  }
0x12d: {  	v23 =	vor.u32 s7, v0;
	s2 =	sadd.s32 $0x10, s2;
	v15 =	vld [tilespmem:s29+$0x0];
	v17 =	vmin.f32 v13, v17  }
0x12e: {  	vm0 =	vgt.s32 v23, v7;
	v19 =	vmul.f32 v19, v16;
	v16 =	vld [tilespmem:s2+$0x0]  }
0x12f: {  	vm1 =	vlt.s32 v23, v6;
	vm2 =	vge.f32 v21, v18;
	(erf) = vrcp.f32 v17  }
0x130: {  	s12 =	sadd.s32 $0x10, s12;
	p0 =	por $0x1, $0x1;
	s11 =	smov.u32 s7;
	vm3 =	vge.f32 v22, v20;
	v18 =	vmov v4;
	v20 =	vpop (erf);
	v17 =	vmov v5  }
.LBB2_25:
0x131: {  	v21 =	vld [tilespmem:s12+$0x0];
	s10 =	sadd.s32 $0x1, s10;
	vm0 =	vmand vm0, vm1;
	vm1 =	vmand vm2, vm3;
	v19 =	vmul.f32 v20, v19  }
0x132: {  	p1 =	slt.s32 s10, s4;
	vm0 =	vmand vm0, vm1  }
0x133: {  	v20 =	vmax.f32 v8, v12;
	s8 =	sadd.s32 $0x10, s8;
	v22 =	vmax.f32 v9, v14;
	v14 =	vnsel vm0, $0x0, v19  }
.Ltmp19:
0x134: {  	s9 =	sadd.s32 $0x10, s9;
	v23 =	vmin.f32 v10, v15;
	v12 =	vld [tilespmem:s8+$0x0];
	v24 =	vmin.f32 v11, v16;
	v17 =	vadd.f32 v14, v17;
	(pc) =	sbr.rel @p1 .LBB2_25-.Ltmp19, $4  }
0x135: {  	s29 =	sadd.s32 $0x10, s29;
	s11 =	sadd.s32 $0x10, s11;
	v19 =	vsub.f32 v23, v20;
	v16 =	vsel vm0, $0x3F800000, v1;
	v14 =	vld [tilespmem:s9+$0x0];
	v25 =	vsub.f32 v24, v22  }
0x136: {  	s2 =	sadd.s32 $0x10, s2;
	v26 =	vor.u32 s11, v0;
	v18 =	vadd.f32 v16, v18;
	v15 =	vld [tilespmem:s29+$0x0];
	v21 =	vmin.f32 v13, v21  }
0x137: {  	vm0 =	vgt.s32 v26, v7;
	v16 =	vld [tilespmem:s2+$0x0];
	(erf) = vrcp.f32 v21;
	v19 =	vmul.f32 v25, v19  }
0x138: {  	s12 =	sadd.s32 $0x10, s12;
	vm1 =	vlt.s32 v26, v6;
	vm2 =	vge.f32 v23, v20;
	vm3 =	vge.f32 v24, v22;
	v20 =	vpop (erf)  }
.Ltmp20:
0x139: {  	(pc) =	sbr.rel .LBB2_27-.Ltmp20, $1  }
0x13a: {  	_ =	sdelay $0x3  }
.LBB2_24:
.Ltmp21:
0x13b: {  	(pc) =	sbr.rel .LBB2_27-.Ltmp21, $2  }
0x13c: {  	_ =	sdelay $0x2  }
0x13d: {  	v17 =	vmov v5;
	s11 =	smov.u32 s7;
	v18 =	vmov v4  }
.LBB2_13:
.Ltmp22:
0x13e: {  	(pc) =	sbr.rel .LBB2_18-.Ltmp22, $2  }
0x13f: {  	_ =	sdelay $0x2  }
0x140: {  	v12 =	vmov v14;
	v20 =	vmov v5;
	v19 =	vmov v4;
	s3 =	simm.s32 $0x1  }
.LBB2_15:
.Ltmp23:
0x141: {  	(pc) =	sbr.rel .LBB2_18-.Ltmp23, $2  }
0x142: {  	_ =	sdelay $0x2  }
0x143: {  	v14 =	vmov v12;
	v20 =	vmov v5;
	v19 =	vmov v4;
	s6 =	simm.s32 $0x1  }
.LBB2_30:
0x144: {  	_ =	swait.ge [sflag:s28], $0x200  }
0x145: {  	[sflag:s28] =	ssyncset.done $0x0  }
0x146: {  	s0 =	simm.s32 $0x0;
	[sflag:s28] =	ssyncadd.s32 $0xFFFFFE00  }
0x147: {  	v6 =	vor.u32 s0, v0;
	_ =	swait.ge [sflag:s28], $0x200  }
0x148: {  	v7 =	vshll.u32 v6, $0x1;
	[sflag:s28] =	ssyncset.done $0x0  }
0x149: {  	v8 =	vor.u32 $0x1, v7;
	[sflag:s28] =	ssyncadd.s32 $0xFFFFFE00  }
0x14a: {  	_ =	swait.ge [sflag:s28], $0x800  }
0x14b: {  	[sflag:s28] =	ssyncset.done $0x0  }
0x14c: {  	[sflag:s28] =	ssyncadd.s32 $0xFFFFF800  }
0x14d: {  	[tilespmem:$0x2100] =	vst v1  }
0x14e: {  	v7 =	vld.idx.msk [tilespmem:v8+s15+$0x0], $0xffff  }
0x14f: {  	v9 =	vshll.u32 v6, $0x3;
	v8 =	vld.idx.msk [tilespmem:v8+s16+$0x0], $0xffff  }
0x150: {  	v10 =	vor.u32 $0x6, v9  }
0x151: {  	v11 =	vor.u32 $0x7, v9  }
0x152: {  	s1 =	simm.s32 $0x1800;
	v12 =	vor.u32 $0x4, v9  }
0x153: {  	s3 =	simm.s32 $0x1900;
	v9 =	vor.u32 $0x5, v9;
	[tilespmem:s1+$0x0] =	vst v7  }
0x154: {  	[tilespmem:s3+$0x0] =	vst v8  }
0x155: {  	v8 =	vld.idx.msk [tilespmem:v10+s17+$0x0], $0xffff  }
0x156: {  	(xrf1) =	vunique.msk.u32 $0xffff, v7;
	v10 =	vld.idx.msk [tilespmem:v11+s17+$0x0], $0xffff  }
0x157: {  	v11 =	vld.idx.msk [tilespmem:v12+s17+$0x0], $0xffff  }
0x158: {  	v9 =	vld.idx.msk [tilespmem:v9+s17+$0x0], $0xffff;
	_ =	sdelay $0x1  }
0x159: {  	v8 =	vmul.f32 $1.440000000e+03, v8  }
0x15a: {  	v10 =	vmul.f32 $2.560000000e+03, v10  }
0x15b: {  	v11 =	vmul.f32 $1.440000000e+03, v11;
	v62 =	vmul.f32 $5.000000000e-01, v8  }
0x15c: {  	v9 =	vmul.f32 $2.560000000e+03, v9;
	v13 =	vmul.f32 $5.000000000e-01, v10  }
0x15d: {  	v14 =	vsub.f32 v11, v62  }
0x15e: {  	v15 =	vsub.f32 v9, v13;
	v9 =	vadd.f32 v13, v9  }
0x15f: {  	s2 =	simm.s32 $0x1B00  }
0x160: {  	s4 =	simm.s32 $0x1C00;
	v11 =	vadd.f32 v62, v11;
	[tilespmem:s2+$0x0] =	vst v14  }
0x161: {  	s5 =	simm.s32 $0x1D00;
	[tilespmem:s4+$0x0] =	vst v15  }
0x162: {  	s6 =	simm.s32 $0x1E00;
	s7 =	simm.s32 $0x10;
	[tilespmem:s5+$0x0] =	vst v11  }
0x163: {  	v63 =	vmul.f32 v10, v8;
	v8 =	vor.u32 s7, v0;
	[tilespmem:s6+$0x0] =	vst v9;
	_, v9, vm0 =	vpop (xrf1)  }
0x164: {  	v10 =	vshll.u32 v8, $0x1  }
0x165: {  	s8 =	simm.s32 $0x1F00;
	s29 =	simm.s32 $0x1800;
	s9 =	simm.s32 $0x1900;
	v10 =	vor.u32 $0x1, v10  }
0x166: {  	s7 =	simm.s32 $0x1C10;
	s2 =	simm.s32 $0x20;
	s4 =	simm.s32 $0x1E10  }
0x167: {  	s5 =	simm.s32 $0x1F10;
	s6 =	simm.s32 $0x1B10;
	v9 =	vshll.u32 v8, $0x3;
	[tilespmem:s8+$0x0] =	vst v63;
	s8 =	simm.s32 $0x1D10  }
.LBB2_31:
0x168: {  	s29 =	sadd.s32 $0x10, s29  }
0x169: {  	[tilespmem:v7+s19+$0x0] =	vst.idx.msk vm0, v6;
	s9 =	sadd.s32 $0x10, s9;
	v6 =	vmov v8;
	s11 =	smov.u32 s2;
	s10 =	sadd.s32 $0x10, s2  }
0x16a: {  	p0 =	sne.s32 s2, $0xF0;
	v7 =	vld.idx.msk [tilespmem:v10+s15+$0x0], $0xffff  }
0x16b: {  	v8 =	vld.idx.msk [tilespmem:v10+s16+$0x0], $0xffff;
	_ =	sdelay $0x1  }
0x16c: {  	v10 =	vor.u32 $0x6, v9  }
0x16d: {  	v11 =	vor.u32 $0x7, v9  }
0x16e: {  	v12 =	vor.u32 $0x4, v9  }
0x16f: {  	v9 =	vor.u32 $0x5, v9;
	[tilespmem:s29+$0x0] =	vst v7;
	(xrf1) =	vunique.msk.u32 $0xffff, v7  }
0x170: {  	[tilespmem:s9+$0x0] =	vst v8  }
0x171: {  	v8 =	vld.idx.msk [tilespmem:v10+s17+$0x0], $0xffff  }
0x172: {  	v10 =	vld.idx.msk [tilespmem:v11+s17+$0x0], $0xffff  }
0x173: {  	v11 =	vld.idx.msk [tilespmem:v12+s17+$0x0], $0xffff  }
0x174: {  	v9 =	vld.idx.msk [tilespmem:v9+s17+$0x0], $0xffff;
	_ =	sdelay $0x2  }
0x175: {  	v8 =	vmul.f32 $1.440000000e+03, v8  }
0x176: {  	v10 =	vmul.f32 $2.560000000e+03, v10  }
0x177: {  	v11 =	vmul.f32 $1.440000000e+03, v11;
	v12 =	vmul.f32 $5.000000000e-01, v8  }
0x178: {  	v13 =	vmul.f32 $2.560000000e+03, v9;
	v14 =	vmul.f32 $5.000000000e-01, v10  }
0x179: {  	v15 =	vsub.f32 v11, v12;
	v11 =	vadd.f32 v12, v11;
	v12 =	vmul.f32 v10, v8  }
0x17a: {  	v10 =	vsub.f32 v13, v14  }
0x17b: {  	v8 =	vor.u32 s11, v0;
	[tilespmem:s6+$0x0] =	vst v15;
	_, v9, vm0 =	vpop (xrf1)  }
.Ltmp24:
0x17c: {  	v13 =	vadd.f32 v14, v13;
	v15 =	vshll.u32 v8, $0x1;
	v9 =	vshll.u32 v8, $0x3;
	[tilespmem:s7+$0x0] =	vst v10;
	(pc) =	sbr.rel @p0 .LBB2_31-.Ltmp24, $4  }
0x17d: {  	v10 =	vor.u32 $0x1, v15;
	[tilespmem:s8+$0x0] =	vst v11  }
0x17e: {  	[tilespmem:s4+$0x0] =	vst v13  }
0x17f: {  	s2 =	smov.u32 s10;
	s4 =	sadd.s32 $0x10, s4;
	[tilespmem:s5+$0x0] =	vst v12;
	s5 =	sadd.s32 $0x10, s5  }
0x180: {  	s6 =	sadd.s32 $0x10, s6;
	s7 =	sadd.s32 $0x10, s7;
	s8 =	sadd.s32 $0x10, s8  }
0x181: {  	_ =	sdelay $0x4  }
0x182: {  	[tilespmem:v7+s19+$0x0] =	vst.idx.msk vm0, v6  }
0x183: {  	v6 =	vld.idx.msk [tilespmem:v10+s15+$0x0], $0xffff;
	_ =	sdelay $0x2  }
0x184: {  	v7 =	vld.idx.msk [tilespmem:v10+s16+$0x0], $0xffff  }
0x185: {  	v59 =	vor.u32 $0x6, v9  }
0x186: {  	v11 =	vor.u32 $0x7, v9;
	(xrf1) =	vunique.msk.u32 $0xffff, v6  }
0x187: {  	s2 =	sadd.s32 $0x10, s29;
	v12 =	vor.u32 $0x4, v9  }
0x188: {  	s9 =	sadd.s32 $0x10, s9;
	v60 =	vor.u32 $0x5, v9;
	[tilespmem:s2+$0x0] =	vst v6  }
0x189: {  	[tilespmem:s9+$0x0] =	vst v7  }
0x18a: {  	v7 =	vld.idx.msk [tilespmem:v59+s17+$0x0], $0xffff  }
0x18b: {  	v61 =	vld.idx.msk [tilespmem:v11+s17+$0x0], $0xffff  }
0x18c: {  	v62 =	vld.idx.msk [tilespmem:v12+s17+$0x0], $0xffff  }
0x18d: {  	v9 =	vld.idx.msk [tilespmem:v60+s17+$0x0], $0xffff;
	_ =	sdelay $0x1  }
0x18e: {  	v7 =	vmul.f32 $1.440000000e+03, v7  }
0x18f: {  	v10 =	vmul.f32 $2.560000000e+03, v61  }
0x190: {  	v11 =	vmul.f32 $1.440000000e+03, v62;
	v63 =	vmul.f32 $5.000000000e-01, v7  }
0x191: {  	v9 =	vmul.f32 $2.560000000e+03, v9;
	v13 =	vmul.f32 $5.000000000e-01, v10  }
0x192: {  	v14 =	vsub.f32 v11, v63  }
0x193: {  	v15 =	vsub.f32 v9, v13;
	_, v16, vm15 =	vpop (xrf1)  }
0x194: {  	v11 =	vadd.f32 v63, v11;
	[tilespmem:s6+$0x0] =	vst v14  }
0x195: {  	v9 =	vadd.f32 v13, v9;
	[tilespmem:s7+$0x0] =	vst v15  }
0x196: {  	v7 =	vmul.f32 v10, v7;
	[tilespmem:s8+$0x0] =	vst v11  }
0x197: {  	[tilespmem:s4+$0x0] =	vst v9  }
0x198: {  	[tilespmem:s5+$0x0] =	vst v7  }
0x199: {  	s2 =	simm.s32 $0x1A00;
	[tilespmem:v6+s19+$0x0] =	vst.idx.msk vm15, v8  }
.LBB2_33:
0x19a: {  	v6 =	vld [tilespmem:s1+$0x0];
	_ =	sdelay $0x7  }
0x19b: {  	v6 =	vld.idx.msk [tilespmem:v6+s19+$0x0], $0xffff;
	_ =	sdelay $0x3  }
0x19c: {  	v7 =	vor.u32 s0, v0  }
0x19d: {  	vm0 =	veq.s32 v6, v7  }
0x19e: {  	v6 =	vsel vm0, $0x1, v1  }
0x19f: {  	[tilespmem:s2+$0x0] =	vst v6  }
0x1a0: {  	v6 =	vld [tilespmem:s3+$0x0];
	_ =	sdelay $0x2  }
0x1a1: {  	p0 =	sne.s32 s0, $0xF0  }
.Ltmp25:
0x1a2: {  	_ = 	snop;
	(pc) =	sbr.rel @p0 .LBB2_33-.Ltmp25, $3  }
0x1a3: {  	_ =	sdelay $0x1  }
0x1a4: {  	s1 =	sadd.s32 $0x10, s1  }
0x1a5: {  	s0 =	sadd.s32 $0x10, s0;
	s2 =	sadd.s32 $0x10, s2;
	s3 =	sadd.s32 $0x10, s3;
	[tilespmem:v6+s20+$0x0] =	vst.idx.add.s32.msk vm0, v2  }
0x1a6: {  	[tilespmem:$0x2180] =	vst v3;
	s0 =	simm.s32 $0x0  }
0x1a7: {  	v7 =	vld [tilespmem:s0+$0x1A00]  }
0x1a8: {  	v6 =	vld [tilespmem:s0+$0x1900];
	_ =	sdelay $0x3  }
0x1a9: {  	vm0 =	vne.s32 v7, $0x0  }
0x1aa: {  	(xrf1) =	vunique.msk.u32 vm0, v6;
	_ =	sdelay $0x9  }
0x1ab: {  	v7 =	vld.idx.msk [tilespmem:v6+s21+$0x0], $0xffff;
	_ =	sdelay $0x3  }
0x1ac: {  	_, v8, _ =	vpop (xrf1)  }
0x1ad: {  	v7 =	vadd.s32 v8, v7  }
0x1ae: {  	v8 =	vld [tilespmem:s0+$0x1B00];
	v7 =	vadd.s32 $0xFFFFFFFF, v7;
	_ =	sdelay $0x4  }
0x1af: {  	[tilespmem:v7+s22+$0x0] =	vst.idx.msk vm0, v8  }
0x1b0: {  	v8 =	vld [tilespmem:s0+$0x1C00];
	_ =	sdelay $0x4  }
0x1b1: {  	[tilespmem:v7+s23+$0x0] =	vst.idx.msk vm0, v8  }
0x1b2: {  	v8 =	vld [tilespmem:s0+$0x1D00];
	_ =	sdelay $0x4  }
0x1b3: {  	[tilespmem:v7+s24+$0x0] =	vst.idx.msk vm0, v8  }
0x1b4: {  	v8 =	vld [tilespmem:s0+$0x1E00];
	_ =	sdelay $0x4  }
0x1b5: {  	[tilespmem:v7+s25+$0x0] =	vst.idx.msk vm0, v8  }
0x1b6: {  	v8 =	vld [tilespmem:s0+$0x1F00];
	_ =	sdelay $0x4  }
0x1b7: {  	s1 =	simm.s32 $0x40;
	s3 =	simm.s32 $0x80;
	s0 =	simm.s32 $0x0;
	[tilespmem:v7+s26+$0x0] =	vst.idx.msk vm0, v8  }
.LBB2_35:
0x1b8: {  	p0 =	sne.s32 s3, $0x3C0  }
0x1b9: {  	s4 =	sshra.s32 s1, $0x2;
	[tilespmem:v6+s21+$0x0] =	vst.idx.add.s32.msk vm0, v2;
	s1 =	smov.u32 s3;
	s3 =	sadd.s32 $0x40, s3  }
0x1ba: {  	v7 =	vld [tilespmem:s4+$0x1A00]  }
0x1bb: {  	v6 =	vld [tilespmem:s4+$0x1900];
	_ =	sdelay $0x3  }
0x1bc: {  	vm0 =	vne.s32 v7, $0x0  }
0x1bd: {  	(xrf1) =	vunique.msk.u32 vm0, v6;
	_ =	sdelay $0x8  }
0x1be: {  	v7 =	vld.idx.msk [tilespmem:v6+s21+$0x0], $0xffff;
	_ =	sdelay $0x4  }
0x1bf: {  	_, v8, _ =	vpop (xrf1)  }
0x1c0: {  	v7 =	vadd.s32 v8, v7  }
0x1c1: {  	v7 =	vadd.s32 $0xFFFFFFFF, v7;
	v8 =	vld [tilespmem:s4+$0x1B00];
	_ =	sdelay $0x4  }
0x1c2: {  	[tilespmem:v7+s22+$0x0] =	vst.idx.msk vm0, v8  }
0x1c3: {  	v8 =	vld [tilespmem:s4+$0x1C00];
	_ =	sdelay $0x4  }
0x1c4: {  	[tilespmem:v7+s23+$0x0] =	vst.idx.msk vm0, v8  }
0x1c5: {  	v8 =	vld [tilespmem:s4+$0x1D00];
	_ =	sdelay $0x4  }
0x1c6: {  	[tilespmem:v7+s24+$0x0] =	vst.idx.msk vm0, v8  }
0x1c7: {  	v8 =	vld [tilespmem:s4+$0x1E00];
	_ =	sdelay $0x4  }
0x1c8: {  	[tilespmem:v7+s25+$0x0] =	vst.idx.msk vm0, v8  }
0x1c9: {  	v8 =	vld [tilespmem:s4+$0x1F00]  }
.Ltmp26:
0x1ca: {  	(pc) =	sbr.rel @p0 .LBB2_35-.Ltmp26, $2  }
0x1cb: {  	_ =	sdelay $0x2  }
0x1cc: {  	[tilespmem:v7+s26+$0x0] =	vst.idx.msk vm0, v8  }
0x1cd: {  	_ =	sdelay $0x4  }
0x1ce: {  	s1 =	sshra.s32 s1, $0x2;
	[tilespmem:v6+s21+$0x0] =	vst.idx.add.s32.msk vm0, v2  }
0x1cf: {  	v6 =	vld [tilespmem:s1+$0x1A00]  }
0x1d0: {  	v7 =	vld [tilespmem:s1+$0x1900];
	_ =	sdelay $0x3  }
0x1d1: {  	vm15 =	vne.s32 v6, $0x0  }
0x1d2: {  	(xrf1) =	vunique.msk.u32 vm15, v7;
	_ =	sdelay $0x9  }
0x1d3: {  	v6 =	vld.idx.msk [tilespmem:v7+s21+$0x0], $0xffff;
	_ =	sdelay $0x3  }
0x1d4: {  	_, v8, _ =	vpop (xrf1)  }
0x1d5: {  	v6 =	vadd.s32 v8, v6  }
0x1d6: {  	v63 =	vld [tilespmem:s1+$0x1B00];
	v6 =	vadd.s32 $0xFFFFFFFF, v6;
	_ =	sdelay $0x4  }
0x1d7: {  	[tilespmem:v6+s22+$0x0] =	vst.idx.msk vm15, v63  }
0x1d8: {  	v8 =	vld [tilespmem:s1+$0x1C00];
	_ =	sdelay $0x4  }
0x1d9: {  	[tilespmem:v6+s23+$0x0] =	vst.idx.msk vm15, v8  }
0x1da: {  	v8 =	vld [tilespmem:s1+$0x1D00];
	_ =	sdelay $0x4  }
0x1db: {  	[tilespmem:v6+s24+$0x0] =	vst.idx.msk vm15, v8  }
0x1dc: {  	v8 =	vld [tilespmem:s1+$0x1E00];
	_ =	sdelay $0x4  }
0x1dd: {  	[tilespmem:v6+s25+$0x0] =	vst.idx.msk vm15, v8  }
0x1de: {  	v8 =	vld [tilespmem:s1+$0x1F00];
	_ =	sdelay $0x1  }
.Ltmp27:
0x1df: {  	_ = 	snop;
	(pc) =	sbr.rel .LBB2_37-.Ltmp27, $3  }
0x1e0: {  	_ =	sdelay $0x1  }
0x1e1: {  	[tilespmem:v6+s26+$0x0] =	vst.idx.msk vm15, v8  }
0x1e2: {  	s1 =	simm.s32 $0x0;
	[tilespmem:v7+s21+$0x0] =	vst.idx.add.s32.msk vm15, v2  }
.LBB2_40:
0x1e3: {  	v14 =	vmov v12;
	v20 =	vmov v5;
	v19 =	vmov v4;
	s3 =	simm.s32 $0x0  }
.LBB2_47:
0x1e4: {  	_ = 	snop  }
0x1e5: {  	vm0 =	vmand @p1 vm0, vm1;
	vm1 =	vmand @p1 vm2, vm3  }
0x1e6: {  	v21 =	vmul.f32 @p1 v22, v21;
	v18 =	vmax.f32 @p0 v18, v7;
	v15 =	vmax.f32 @p0 v15, v8  }
0x1e7: {  	v16 =	vmin.f32 @p0 v16, v9;
	vm11 =	vgt.s32 v6, v0;
	v63 =	vmov s3  }
0x1e8: {  	v12 =	vld.idx.msk [tilespmem:v12+s22+$0x0], $0xffff;
	vm0 =	vmand @p1 vm0, vm1;
	v17 =	vmin.f32 @p0 v17, v10;
	vm2 =	vge.f32 @p0 v16, v18  }
0x1e9: {  	v58 =	vld.idx.msk [tilespmem:v14+s23+$0x0], $0xffff;
	vm12 =	vlt.u32 v63, v0;
	v21 =	vnsel @p1 vm0, $0x0, v21;
	v22 =	vsub.f32 @p0 v17, v15  }
0x1ea: {  	v24 =	vld.idx.msk [tilespmem:v14+s24+$0x0], $0xffff;
	v23 =	vsel @p1 vm0, $0x3F800000, v1;
	vm0 =	vgt.s32 @p0 v6, v0;
	vm3 =	vge.f32 @p0 v17, v15  }
0x1eb: {  	v59 =	vld.idx.msk [tilespmem:v14+s25+$0x0], $0xffff;
	v20 =	vadd.f32 @p1 v21, v20;
	v21 =	vsub.f32 @p0 v16, v18;
	v11 =	vmin.f32 v13, v11  }
0x1ec: {  	v19 =	vadd.f32 @p1 v23, v19;
	v23 =	vmov @p0 s6;
	(erf) = vrcp.f32 v11  }
0x1ed: {  	vm2 =	vmmov @p0 vm2;
	vm0 =	vmmov @p0 vm0;
	vm1 =	vlt.u32 @p0 v23, v0  }
0x1ee: {  	vm3 =	vmmov @p0 vm3;
	v11 =	vmul.f32 @p0 v22, v21;
	vm1 =	vmmov @p0 vm1  }
0x1ef: {  	v16 =	vpsel p1, v20, v5;
	v17 =	vpsel p1, v19, v4;
	v7 =	vmax.f32 v12, v7  }
0x1f0: {  	v60 =	vmax.f32 v58, v8;
	v61 =	vmin.f32 v24, v9;
	v62 =	vmin.f32 v59, v10  }
0x1f1: {  	v15 =	vpop @p0 (erf);
	vm0 =	vmand @p0 vm0, vm1;
	vm1 =	vmand @p0 vm2, vm3;
	v12 =	vsub.f32 v61, v7  }
0x1f2: {  	v13 =	vsub.f32 v62, v60;
	v11 =	vpsel p0, v11, v0;
	v15 =	vpsel p0, v15, v0  }
0x1f3: {  	vm13 =	vge.f32 v61, v7;
	vm0 =	vmand @p0 vm0, vm1;
	v11 =	vmul.f32 @p0 v15, v11  }
0x1f4: {  	vm14 =	vge.f32 v62, v60;
	v14 =	vsel @p0 vm0, $0x3F800000, v1;
	v12 =	vmul.f32 v13, v12  }
0x1f5: {  	vm15 =	vmand vm13, vm14;
	v6 =	vadd.f32 @p0 v14, v17;
	v11 =	vnsel @p0 vm0, $0x0, v11;
	v7 =	vpop (erf)  }
0x1f6: {  	vm0 =	vmand vm11, vm12;
	v11 =	vadd.f32 @p0 v11, v16;
	v7 =	vmul.f32 v7, v12  }
0x1f7: {  	vm0 =	vmand vm0, vm15;
	v4 =	vpsel p0, v6, v4  }
0x1f8: {  	v5 =	vpsel p0, v11, v5;
	v6 =	vnsel vm0, $0x0, v7;
	v7 =	vsel vm0, $0x3F800000, v1  }
0x1f9: {  	v5 =	vadd.f32 v6, v5;
	v4 =	vadd.f32 v7, v4  }
.LBB2_58:
0x1fa: {  	s1 =	sadd.s32 $0x1, s1  }
0x1fb: {  	p0 =	sne.s32 s1, $0x10  }
.Ltmp28:
0x1fc: {  	_ = 	snop;
	(pc) =	sbr.rel @!p0 .LBB2_59-.Ltmp28, $2  }
0x1fd: {  	_ =	sdelay $0x2  }
0x1fe: {  	s0 =	sadd.s32 $0x100, s0  }
.LBB2_37:
0x1ff: {  	v6 =	vld [tilespmem:s1+$0x2100];
	_ =	sdelay $0x4  }
0x200: {  	(v2sf) =	vpush v6, $0x0;
	_ =	sdelay $0xe  }
0x201: {  	s2 =	spop (v2sf)  }
0x202: {  	p0 =	sgt.s32 s2, $0x10  }
.Ltmp29:
0x203: {  	_ = 	snop;
	(pc) =	sbr.rel @p0 .LBB2_48-.Ltmp29, $2  }
0x204: {  	_ =	sdelay $0x2  }
0x205: {  	s3 =	sshll.u32 s1, $0x8  }
0x206: {  	s4 =	sadd.s32 $0xFFFFFFFF, s2  }
0x207: {  	p0 =	slt.s32 s4, $0x1  }
.Ltmp30:
0x208: {  	_ = 	snop;
	(pc) =	sbr.rel @p0 .LBB2_58-.Ltmp30, $1  }
0x209: {  	_ =	sdelay $0x3  }
0x20a: {  	s2 =	sadd.s32 $0x0, s0  }
0x20b: {  	v7 =	vld [tilespmem:s3+$0x2200];
	p2 =	seq.s32 s4, $0x1;
	v12 =	vmov s2  }
.Ltmp31:
0x20c: {  	v8 =	vld [tilespmem:s3+$0x3200];
	(pc) =	sbr.rel @p2 .LBB2_40-.Ltmp31, $4  }
0x20d: {  	v9 =	vld [tilespmem:s3+$0x4200]  }
0x20e: {  	v10 =	vld [tilespmem:s3+$0x5200]  }
0x20f: {  	v11 =	vld [tilespmem:s3+$0x6200];
	s6 =	simm.s32 $0x0  }
0x210: {  	v6 =	vbroadcast v6, $0x0;
	s5 =	simm.s32 $0x1;
	p0 =	por $0x0, $0x0;
	p1 =	por $0x0, $0x0;
	v13 =	vld.idx.msk [tilespmem:v12+s26+$0x0], $0xffff  }
0x211: {  	_ =	sdelay $0x1  }
0x212: {  	s2 =	sadd.s32 $0x1, s0  }
0x213: {  	p2 =	seq.s32 s4, $0x2;
	v14 =	vmov s2  }
.Ltmp32:
0x214: {  	v18 =	vld.idx.msk [tilespmem:v12+s22+$0x0], $0xffff;
	(pc) =	sbr.rel @p2 .LBB2_42-.Ltmp32, $4  }
0x215: {  	v15 =	vld.idx.msk [tilespmem:v12+s23+$0x0], $0xffff  }
0x216: {  	v16 =	vld.idx.msk [tilespmem:v12+s24+$0x0], $0xffff  }
0x217: {  	v17 =	vld.idx.msk [tilespmem:v12+s25+$0x0], $0xffff;
	v12 =	vmin.f32 v13, v11  }
0x218: {  	s3 =	simm.s32 $0x2;
	p0 =	por $0x1, $0x1;
	(erf) = vrcp.f32 v12;
	v13 =	vld.idx.msk [tilespmem:v14+s26+$0x0], $0xffff  }
0x219: {  	_ =	sdelay $0x3  }
0x21a: {  	v19 =	vmax.f32 v18, v7;
	v18 =	vld.idx.msk [tilespmem:v14+s22+$0x0], $0xffff  }
0x21b: {  	s2 =	sadd.s32 $0x2, s0;
	v20 =	vmax.f32 v15, v8;
	v15 =	vld.idx.msk [tilespmem:v14+s23+$0x0], $0xffff  }
0x21c: {  	p2 =	seq.s32 s4, $0x3;
	v12 =	vmov s2;
	v22 =	vmin.f32 v16, v9;
	v16 =	vld.idx.msk [tilespmem:v14+s24+$0x0], $0xffff  }
.Ltmp33:
0x21d: {  	v23 =	vmin.f32 v17, v10;
	v17 =	vld.idx.msk [tilespmem:v14+s25+$0x0], $0xffff;
	v14 =	vmov s6;
	(pc) =	sbr.rel @p2 .LBB2_44-.Ltmp33, $4  }
0x21e: {  	v21 =	vsub.f32 v22, v19;
	v24 =	vsub.f32 v23, v20  }
0x21f: {  	vm0 =	vgt.s32 v6, v0;
	vm2 =	vge.f32 v22, v19;
	v13 =	vmin.f32 v13, v11  }
0x220: {  	vm1 =	vlt.u32 v14, v0;
	(erf) = vrcp.f32 v13;
	v21 =	vmul.f32 v24, v21;
	v14 =	vmovc v12  }
0x221: {  	p1 =	por $0x1, $0x1;
	s2 =	simm.s32 $0x3;
	v19 =	vmov v4;
	vm3 =	vge.f32 v23, v20;
	v20 =	vmov v5;
	v13 =	vld.idx.msk [tilespmem:v12+s26+$0x0], $0xffff;
	v22 =	vpop (erf)  }
.LBB2_45:
0x222: {  	s6 =	sadd.s32 s2, s0;
	vm1 =	vmand vm0, vm1;
	vm2 =	vmand vm2, vm3;
	v21 =	vmul.f32 v22, v21;
	s7 =	smov.u32 s2  }
0x223: {  	s2 =	sadd.s32 $0x1, s2;
	v22 =	vmov s6;
	vm1 =	vmand vm1, vm2  }
0x224: {  	v23 =	vmax.f32 v18, v7;
	v24 =	vmax.f32 v15, v8;
	p2 =	seq.s32 s4, s2;
	v18 =	vld.idx.msk [tilespmem:v12+s22+$0x0], $0xffff;
	v21 =	vnsel vm1, $0x0, v21;
	v12 =	vmovc v22  }
.Ltmp34:
0x225: {  	v25 =	vmin.f32 v16, v9;
	v26 =	vmin.f32 v17, v10;
	v15 =	vld.idx.msk [tilespmem:v14+s23+$0x0], $0xffff;
	v20 =	vadd.f32 v21, v20;
	(pc) =	sbr.rel @!p2 .LBB2_45-.Ltmp34, $4  }
0x226: {  	v28 =	vsel vm1, $0x3F800000, v1;
	v21 =	vsub.f32 v25, v23;
	v27 =	vsub.f32 v26, v24;
	v16 =	vld.idx.msk [tilespmem:v14+s24+$0x0], $0xffff  }
0x227: {  	v19 =	vadd.f32 v28, v19;
	v13 =	vmin.f32 v13, v11;
	v17 =	vld.idx.msk [tilespmem:v14+s25+$0x0], $0xffff  }
0x228: {  	v28 =	vmov s5;
	s5 =	smov.u32 s3;
	s3 =	smov.u32 s7;
	v21 =	vmul.f32 v27, v21;
	v14 =	vmovc v22;
	(erf) = vrcp.f32 v13  }
0x229: {  	vm2 =	vge.f32 v25, v23;
	vm3 =	vge.f32 v26, v24;
	vm1 =	vlt.u32 v28, v0;
	v13 =	vld.idx.msk [tilespmem:v22+s26+$0x0], $0xffff;
	v22 =	vpop (erf)  }
.Ltmp35:
0x22a: {  	(pc) =	sbr.rel .LBB2_47-.Ltmp35, $2  }
0x22b: {  	_ =	sdelay $0x2  }
0x22c: {  	s6 =	smov.u32 s5  }
.LBB2_48:
0x22d: {  	s4 =	sadd.s32 $0xF, s2  }
0x22e: {  	s5 =	sshra.s32 s4, $0x1F;
	s6 =	sand.u32 $0xF, s4;
	p0 =	slt.s32 s4, $0x0  }
.Ltmp36:
0x22f: {  	s5 =	sshrl.u32 s5, $0x1C;
	p1 =	sne.s32 s6, $0x0;
	(pc) =	sbr.rel .LBB2_49-.Ltmp36, $4  }
0x230: {  	s12 =	sshll.u32 s1, $0x4;
	s4 =	sadd.s32 s5, s4;
	p0 =	por !p0, !p1  }
0x231: {  	s5 =	simm.s32 $0x1;
	s4 =	sshra.s32 s4, $0x4;
	p0 =	por !p0, !p0  }
0x232: {  	s29 =	sadd.s32 s3, s2;
	s4 =	sadd.s32 s12, s4;
	s5 =	simm.s32 @!p0 $0x0  }
0x233: {  	v6 =	vmov s29;
	s6 =	simm.s32 $0x0;
	s4 =	ssub.s32 s4, s5;
	s5 =	sadd.s32 $0xFFFFFFFE, s2  }
.LBB2_51:
0x234: {  	v17 =	vmov v5;
	s11 =	smov.u32 s7;
	v18 =	vmov v4  }
.LBB2_56:
0x235: {  	vm0 =	vmand @p0 vm0, vm1;
	vm1 =	vmand @p0 vm2, vm3  }
0x236: {  	v13 =	vmul.f32 @p0 v20, v19;
	v8 =	vmax.f32 v8, v12;
	v9 =	vmax.f32 v9, v14  }
0x237: {  	s2 =	sadd.s32 @p0 $0x10, s11;
	vm0 =	vmand @p0 vm0, vm1;
	v10 =	vmin.f32 v10, v15;
	v11 =	vmin.f32 v11, v16  }
0x238: {  	s7 =	smov.u32 @p0 s2;
	v12 =	vnsel @p0 vm0, $0x0, v13;
	v62 =	vsub.f32 v10, v8;
	v14 =	vsub.f32 v11, v9  }
0x239: {  	v15 =	vsel @p0 vm0, $0x3F800000, v1;
	v63 =	vor.u32 s7, v0;
	vm13 =	vge.f32 v10, v8  }
0x23a: {  	v12 =	vadd.f32 @p0 v12, v17;
	vm11 =	vgt.s32 v63, v7;
	v7 =	vmul.f32 v14, v62  }
0x23b: {  	v15 =	vadd.f32 @p0 v15, v18;
	vm12 =	vlt.s32 v63, v6;
	vm14 =	vge.f32 v11, v9;
	v8 =	vpop (erf)  }
0x23c: {  	vm0 =	vmand vm11, vm12;
	vm15 =	vmand vm13, vm14;
	v7 =	vmul.f32 v8, v7  }
0x23d: {  	v5 =	vpsel p0, v12, v5;
	vm0 =	vmand vm0, vm15  }
0x23e: {  	v4 =	vpsel p0, v15, v4;
	v8 =	vsel vm0, $0x3F800000, v1;
	v7 =	vnsel vm0, $0x0, v7  }
0x23f: {  	v4 =	vadd.f32 v8, v4;
	v5 =	vadd.f32 v7, v5  }
.LBB2_57:
0x240: {  	p0 =	sne.s32 s6, s5  }
.Ltmp37:
0x241: {  	_ = 	snop;
	(pc) =	sbr.rel @!p0 .LBB2_58-.Ltmp37, $3  }
0x242: {  	_ =	sdelay $0x1  }
0x243: {  	s2 =	sadd.s32 $0x1, s6  }
0x244: {  	s6 =	smov.u32 s2  }
.LBB2_49:
0x245: {  	s2 =	sadd.s32 s3, s6;
	s7 =	sand.u32 $0xF, s6  }
0x246: {  	s8 =	sshra.s32 s2, $0x1F;
	p0 =	slt.s32 s2, $0x1;
	p1 =	sne.s32 s7, $0x0  }
0x247: {  	s29 =	sshrl.u32 s8, $0x1C;
	p0 =	por !p0, !p1  }
0x248: {  	s8 =	simm.s32 $0x1;
	s7 =	sadd.s32 s29, s2;
	p0 =	por !p0, !p0  }
0x249: {  	s7 =	sshra.s32 s7, $0x4;
	s8 =	simm.s32 @!p0 $0x0  }
0x24a: {  	s7 =	ssub.s32 s7, s8  }
0x24b: {  	p0 =	sge.s32 s7, s4  }
.Ltmp38:
0x24c: {  	_ = 	snop;
	(pc) =	sbr.rel @p0 .LBB2_57-.Ltmp38, $1  }
0x24d: {  	_ =	sdelay $0x3  }
0x24e: {  	s29 =	sshll.u32 s7, $0x6  }
0x24f: {  	v7 =	vmov s2;
	s2 =	sshra.s32 s29, $0x2  }
0x250: {  	s12 =	sadd.s32 $0x6200, s2  }
0x251: {  	s8 =	sadd.s32 $0x2200, s2;
	v16 =	vld [tilespmem:s12+$0x0]  }
0x252: {  	s9 =	sadd.s32 $0x3200, s2;
	v12 =	vld [tilespmem:s8+$0x0]  }
0x253: {  	v14 =	vld [tilespmem:s9+$0x0]  }
0x254: {  	s11 =	sadd.s32 $0x4200, s2;
	v13 =	vld.idx.msk [tilespmem:v7+s26+$0x0], $0xffff  }
0x255: {  	v15 =	vld [tilespmem:s11+$0x0]  }
0x256: {  	s10 =	sadd.s32 $0x1, s7;
	v8 =	vld.idx.msk [tilespmem:v7+s22+$0x0], $0xffff  }
0x257: {  	p1 =	slt.s32 s10, s4;
	v9 =	vld.idx.msk [tilespmem:v7+s23+$0x0], $0xffff  }
.Ltmp39:
0x258: {  	v10 =	vld.idx.msk [tilespmem:v7+s24+$0x0], $0xffff;
	(pc) =	sbr.rel @!p1 .LBB2_51-.Ltmp39, $3  }
0x259: {  	s2 =	sadd.s32 $0x5200, s2;
	v11 =	vld.idx.msk [tilespmem:v7+s25+$0x0], $0xffff;
	v17 =	vmin.f32 v13, v16  }
0x25a: {  	v16 =	vld [tilespmem:s2+$0x0];
	(erf) = vrcp.f32 v17;
	_ =	sdelay $0x1  }
0x25b: {  	s7 =	sshll.u32 s7, $0x4;
	p0 =	por $0x0, $0x0;
	s12 =	sadd.s32 $0x10, s12  }
0x25c: {  	v17 =	vld [tilespmem:s12+$0x0];
	_ =	sdelay $0x1  }
0x25d: {  	v18 =	vmax.f32 v8, v12;
	s8 =	sadd.s32 $0x10, s8;
	s10 =	sadd.s32 $0x1, s10  }
0x25e: {  	v20 =	vmax.f32 v9, v14;
	v21 =	vmin.f32 v10, v15;
	s9 =	sadd.s32 $0x10, s9;
	v12 =	vld [tilespmem:s8+$0x0];
	p1 =	slt.s32 s10, s4;
	v22 =	vmin.f32 v11, v16  }
.Ltmp40:
0x25f: {  	s29 =	sadd.s32 $0x10, s11;
	v14 =	vld [tilespmem:s9+$0x0];
	v16 =	vsub.f32 v21, v18;
	v19 =	vsub.f32 v22, v20;
	(pc) =	sbr.rel @!p1 .LBB2_53-.Ltmp40, $4  }
0x260: {  	v23 =	vor.u32 s7, v0;
	s2 =	sadd.s32 $0x10, s2;
	v15 =	vld [tilespmem:s29+$0x0];
	v17 =	vmin.f32 v13, v17  }
0x261: {  	vm0 =	vgt.s32 v23, v7;
	v19 =	vmul.f32 v19, v16;
	v16 =	vld [tilespmem:s2+$0x0]  }
0x262: {  	vm1 =	vlt.s32 v23, v6;
	vm2 =	vge.f32 v21, v18;
	(erf) = vrcp.f32 v17  }
0x263: {  	s12 =	sadd.s32 $0x10, s12;
	p0 =	por $0x1, $0x1;
	s11 =	smov.u32 s7;
	vm3 =	vge.f32 v22, v20;
	v18 =	vmov v4;
	v20 =	vpop (erf);
	v17 =	vmov v5  }
.LBB2_54:
0x264: {  	v21 =	vld [tilespmem:s12+$0x0];
	s10 =	sadd.s32 $0x1, s10;
	vm0 =	vmand vm0, vm1;
	vm1 =	vmand vm2, vm3;
	v19 =	vmul.f32 v20, v19  }
0x265: {  	p1 =	slt.s32 s10, s4;
	vm0 =	vmand vm0, vm1  }
0x266: {  	v20 =	vmax.f32 v8, v12;
	s8 =	sadd.s32 $0x10, s8;
	v22 =	vmax.f32 v9, v14;
	v14 =	vnsel vm0, $0x0, v19  }
.Ltmp41:
0x267: {  	s9 =	sadd.s32 $0x10, s9;
	v23 =	vmin.f32 v10, v15;
	v12 =	vld [tilespmem:s8+$0x0];
	v24 =	vmin.f32 v11, v16;
	v17 =	vadd.f32 v14, v17;
	(pc) =	sbr.rel @p1 .LBB2_54-.Ltmp41, $4  }
0x268: {  	s29 =	sadd.s32 $0x10, s29;
	s11 =	sadd.s32 $0x10, s11;
	v19 =	vsub.f32 v23, v20;
	v16 =	vsel vm0, $0x3F800000, v1;
	v14 =	vld [tilespmem:s9+$0x0];
	v25 =	vsub.f32 v24, v22  }
0x269: {  	s2 =	sadd.s32 $0x10, s2;
	v26 =	vor.u32 s11, v0;
	v18 =	vadd.f32 v16, v18;
	v15 =	vld [tilespmem:s29+$0x0];
	v21 =	vmin.f32 v13, v21  }
0x26a: {  	vm0 =	vgt.s32 v26, v7;
	v16 =	vld [tilespmem:s2+$0x0];
	(erf) = vrcp.f32 v21;
	v19 =	vmul.f32 v25, v19  }
0x26b: {  	s12 =	sadd.s32 $0x10, s12;
	vm1 =	vlt.s32 v26, v6;
	vm2 =	vge.f32 v23, v20;
	vm3 =	vge.f32 v24, v22;
	v20 =	vpop (erf)  }
.Ltmp42:
0x26c: {  	(pc) =	sbr.rel .LBB2_56-.Ltmp42, $1  }
0x26d: {  	_ =	sdelay $0x3  }
.LBB2_53:
.Ltmp43:
0x26e: {  	(pc) =	sbr.rel .LBB2_56-.Ltmp43, $2  }
0x26f: {  	_ =	sdelay $0x2  }
0x270: {  	v17 =	vmov v5;
	s11 =	smov.u32 s7;
	v18 =	vmov v4  }
.LBB2_42:
.Ltmp44:
0x271: {  	(pc) =	sbr.rel .LBB2_47-.Ltmp44, $2  }
0x272: {  	_ =	sdelay $0x2  }
0x273: {  	v12 =	vmov v14;
	v20 =	vmov v5;
	v19 =	vmov v4;
	s3 =	simm.s32 $0x1  }
.LBB2_44:
.Ltmp45:
0x274: {  	(pc) =	sbr.rel .LBB2_47-.Ltmp45, $2  }
0x275: {  	_ =	sdelay $0x2  }
0x276: {  	v14 =	vmov v12;
	v20 =	vmov v5;
	v19 =	vmov v4;
	s6 =	simm.s32 $0x1  }
.LBB2_60:
0x277: {  	_ =	sfence.sel $0x180000  }
0x278: {  	[bflag:$0x0] =	sbarrier.arrive $0xFFFF  }
0x279: {  	_ =	strace $0x90000047  }
0x27a: {  	s0 =	stileid.u32;
	[bflag:$0x2] =	sbarrier.arrive $0xFFFF  }
0x27b: {  	p0 =	sne.s32 s0, $0x0;
	s0 =	rddreg [dreg:$0x4]  }
0x27c: {  	s0 =	sadd.s32 @!p0 $0x100000, s0  }
0x27d: {  	[sflag:s0] =	ssyncadd.tile.s32 @!p0 $0x1;
	_ =	shalt  }
.Lfunc_end2:
_tile_overlayer_lowered:
.L_overlay_start_2:
0x27e: {  	(tag) =	ssettag $0x2  }
0x27f: {  	s0 =	rddreg [dreg:$0x0];
	s2 =	stileid.u32  }
0x280: {  	s1 =	rddreg [dreg:$0x1];
	p0 =	sne.s32 s2, $0x0  }
0x281: {  	s3 =	rddreg [dreg:$0x2];
	[bflag:$0x3] =	sbarrier.arrive $0xFFFF;
	s2 =	simm.s32 @!p0 $0x1C03  }
0x282: {  	[timem:s3], [sflag:s2] =	dma.local @!p0 [hbm:s0], s1  }
0x283: {  	s0 =	simm.s32 @!p0 $0x3  }
0x284: {  	_ =	swait.ge @!p0 [sflag:s0], s1  }
0x285: {  	s1 =	ssub.s32 @!p0 $0x0, s1;
	[sflag:s0] =	ssyncset.done @!p0 $0x0  }
0x286: {  	[sflag:s0] =	ssyncadd.s32 @!p0 s1  }
0x287: {  	[bflag:$0x3] =	sbarrier.arrive $0xFFFF  }
0x288: {  	_ =	shalt  }

</sc_bundles>
